<compile_context>
chip_gen: v7x
topology: tpu7x:2x2x1
jax: 0.10.2.dev20260603
libtpu: 0.0.44.dev20260713+nightly
codegen_flags: <defaults>
</compile_context>

<pallas_src>
import functools

import jax
import jax.numpy as jnp
from jax import lax
from jax.experimental import pallas as pl
from jax.experimental.pallas import tpu as pltpu
from jax.experimental.pallas import tpu_sc as plsc

VOCAB = 100000
HIDDEN = 128
EPS = 1e-6
LANES = 16
NBLK = HIDDEN // LANES

NC = 2
NS = 16
NW = NC * NS

CHUNK = 128
NBUF = 6
DIST = 5


def _rsqrt(m):
    i = lax.bitcast_convert_type(m, jnp.int32)
    i = 0x5F3759DF - lax.shift_right_logical(i, 1)
    y = lax.bitcast_convert_type(i, jnp.float32)
    h = m * 0.5
    for _ in range(2):
        y = y * (1.5 - h * y * y)
    return y


def _make_kernel(n_rows, apply_w):
    assert n_rows % (NW * CHUNK) == 0
    rows_per_w = n_rows // NW
    nchunk = rows_per_w // CHUNK
    mesh = plsc.VectorSubcoreMesh(core_axis_name="c", subcore_axis_name="s")

    @functools.partial(
        pl.kernel,
        out_type=jax.ShapeDtypeStruct((n_rows, HIDDEN), jnp.float32),
        mesh=mesh,
        compiler_params=pltpu.CompilerParams(needs_layout_passes=False),
        scratch_types=[
            pltpu.VMEM((nchunk, CHUNK), jnp.int32),
            pltpu.VMEM((HIDDEN,), jnp.float32),
            pltpu.VMEM((NBUF, CHUNK, HIDDEN), jnp.float32),
            pltpu.SemaphoreType.DMA((NBUF,)),
            pltpu.SemaphoreType.DMA((NBUF,)),
        ],
    )
    def k(table_hbm, idx_hbm, w_hbm, out_hbm, idx_v, w_v, bufs, gsem, wsem):
        wid = lax.axis_index("s") * NC + lax.axis_index("c")
        base = wid * rows_per_w
        pltpu.sync_copy(idx_hbm.at[wid], idx_v)
        pltpu.sync_copy(w_hbm, w_v)

        def fire_gather(c):
            b = lax.rem(c, NBUF)
            pltpu.async_copy(table_hbm.at[idx_v.at[c]], bufs.at[b], gsem.at[b])

        def wait_write(b):
            pltpu.make_async_copy(
                bufs.at[b], out_hbm.at[pl.ds(0, CHUNK)], wsem.at[b]
            ).wait()

        for c0 in range(DIST):
            fire_gather(c0)

        def step(c, carry):
            b = lax.rem(c, NBUF)
            buf = bufs.at[b]
            pltpu.make_async_copy(table_hbm.at[idx_v.at[c]], buf,
                                  gsem.at[b]).wait()

            @plsc.parallel_loop(0, CHUNK, unroll=1)
            def row_body(r):
                xs = []
                acc = None
                for j in range(NBLK):
                    x = buf[r, pl.ds(j * LANES, LANES)]
                    xs.append(x)
                    acc = x * x if acc is None else acc + x * x
                s = jnp.sum(acc)
                y = _rsqrt(s * (1.0 / HIDDEN) + EPS)
                y = jnp.full((LANES,), y)
                for j in range(NBLK):
                    if apply_w:
                        w = w_v[pl.ds(j * LANES, LANES)]
                        buf[r, pl.ds(j * LANES, LANES)] = xs[j] * (y * w)
                    else:
                        buf[r, pl.ds(j * LANES, LANES)] = xs[j] * y

            pltpu.async_copy(buf, out_hbm.at[pl.ds(base + c * CHUNK, CHUNK)],
                             wsem.at[b])

            @pl.when(c >= NBUF - DIST)
            def _():
                wait_write(lax.rem(c + DIST, NBUF))

            @pl.when(c + DIST < nchunk)
            def _():
                fire_gather(c + DIST)

            return carry

        lax.fori_loop(0, nchunk, step, 0)

        for c in range(nchunk - (NBUF - DIST), nchunk):
            wait_write(c % NBUF)

    return k


def kernel(input_ids, table, norm_weight):
    b, s = input_ids.shape
    n_rows = b * s
    idx3 = input_ids.astype(jnp.int32).reshape(NW, n_rows // (NW * CHUNK), CHUNK)
    out = lax.cond(
        jnp.all(norm_weight == 1.0),
        lambda: _make_kernel(n_rows, apply_w=False)(table, idx3, norm_weight),
        lambda: _make_kernel(n_rows, apply_w=True)(table, idx3, norm_weight),
    )
    return out.reshape(b, s, HIDDEN)

# --- scband reference (transcript-rebuilt; emitter-appended) ---
"""Pipeline reference for scband-lednik-embeddings-42571715838356 (READ-ONLY COPY).

The authoritative reference and input builder live on the scoring server;
editing this copy changes nothing except your own understanding.
"""

import jax, jax.numpy as jnp
import numpy as np

VOCAB = 100000
HIDDEN = 128
PAD = 0
B = 1024
S = 200
EPS = 1e-6


def setup_inputs(seed: int = 0) -> dict:
    key = jax.random.key(seed)
    k_ids, k_tbl = jax.random.split(key, 2)
    input_ids = jax.random.randint(k_ids, (B, S), 0, VOCAB, dtype=jnp.int64 if jax.config.jax_enable_x64 else jnp.int32)
    table = jax.random.normal(k_tbl, (VOCAB, HIDDEN), dtype=jnp.float32) * 0.02
    # nn.Embedding with padding_idx zeroes the padding row at init
    table = table.at[PAD].set(0.0)
    norm_weight = jnp.ones((HIDDEN,), dtype=jnp.float32)  # LigerRMSNorm weight
    return {"input_ids": input_ids, "table": table, "norm_weight": norm_weight}


def reference(input_ids, table, norm_weight):
    # Embedding lookup (padding row already zeroed)
    h = jnp.take(table, input_ids, axis=0)  # [B, S, HIDDEN]
    # RMSNorm (LigerRMSNorm semantics: x * rsqrt(mean(x^2) + eps) * weight)
    var = jnp.mean(h * h, axis=-1, keepdims=True)
    hn = h * jax.lax.rsqrt(var + EPS)
    out = hn * norm_weight
    # dropout p=0.0 -> Identity
    return out

if __name__ == "__main__":
    import jax
    _d = setup_inputs()
    print(jax.jit(kernel)(*tuple(_d.values())))

</pallas_src>

<mosaic_0001>
#map = affine_map<(d0, d1) -> (0, 0)>
#map1 = affine_map<(d0, d1) -> (0, 0, 0)>
#map2 = affine_map<(d0, d1) -> (0)>
module attributes {stable_mosaic.version = 14 : i64} {
  func.func @k(%arg0: i32, %arg1: i32, %arg2: memref<100000x128xf32, #tpu.memory_space<hbm>>, %arg3: memref<32x50x128xi32, #tpu.memory_space<hbm>>, %arg4: memref<128xf32, #tpu.memory_space<hbm>>, %arg5: memref<204800x128xf32, #tpu.memory_space<hbm>>, %arg6: memref<50x128xi32, #tpu.memory_space<vmem>>, %arg7: memref<128xf32, #tpu.memory_space<vmem>>, %arg8: memref<6x128x128xf32, #tpu.memory_space<vmem>>, %arg9: memref<6x!tpu.dma_semaphore, #tpu.memory_space<semaphore_mem>>, %arg10: memref<6x!tpu.dma_semaphore, #tpu.memory_space<semaphore_mem>>) attributes {dimension_semantics = [#tpu.dimension_semantics<core_parallel>, #tpu.dimension_semantics<subcore_parallel>], iteration_bounds = array<i64: 2, 16>, scalar_prefetch = 0 : i64, scratch_operands = 5 : i64, tpu.core_type = #tpu.core_type<sc_vector_subcore>, window_params = [{transform_indices = #map}, {transform_indices = #map1}, {transform_indices = #map2}, {transform_indices = #map}]} {
    %mul3A = arith.constant 2 : i32
    %mul3A_0 = arith.muli %arg1, %mul3A : i32
    %add3A = arith.addi %mul3A_0, %arg0 : i32
    %mul3A_1 = arith.constant 6400 : i32
    %mul3A_2 = arith.muli %add3A, %mul3A_1 : i32
    "tpu.region"() ({
      %run_scoped3A = tpu.sem_alloc : memref<!tpu.dma_semaphore, #tpu.memory_space<semaphore_mem>>
      %dma_start3A_103 = arith.constant 0 : i32
      %dma_start3A_104 = arith.constant 0 : i32
      %dma_start3A_105 = tpu.memref_slice %arg3[%add3A, %dma_start3A_103, %dma_start3A_104] : memref<32x50x128xi32, #tpu.memory_space<hbm>> -> memref<1x50x128xi32, #tpu.memory_space<hbm>>
      %dma_start3A_106 = tpu.memref_squeeze %dma_start3A_105 : memref<1x50x128xi32, #tpu.memory_space<hbm>> -> memref<50x128xi32, #tpu.memory_space<hbm>>
      %dma_start3A_107 = arith.constant 0 : i32
      %dma_start3A_108 = arith.constant 0 : i32
      %dma_start3A_109 = tpu.memref_slice %arg3[%add3A, %dma_start3A_107, %dma_start3A_108] : memref<32x50x128xi32, #tpu.memory_space<hbm>> -> memref<1x50x128xi32, #tpu.memory_space<hbm>>
      %dma_start3A_110 = tpu.memref_squeeze %dma_start3A_109 : memref<1x50x128xi32, #tpu.memory_space<hbm>> -> memref<50x128xi32, #tpu.memory_space<hbm>>
      tpu.enqueue_dma source(%dma_start3A_110 : memref<50x128xi32, #tpu.memory_space<hbm>>) target(%arg6 : memref<50x128xi32, #tpu.memory_space<vmem>>) target_semaphore(%run_scoped3A : memref<!tpu.dma_semaphore, #tpu.memory_space<semaphore_mem>>)
      %dma_wait3A_111 = arith.constant 0 : i32
      %dma_wait3A_112 = arith.constant 0 : i32
      %dma_wait3A_113 = tpu.memref_slice %arg3[%add3A, %dma_wait3A_111, %dma_wait3A_112] : memref<32x50x128xi32, #tpu.memory_space<hbm>> -> memref<1x50x128xi32, #tpu.memory_space<hbm>>
      %dma_wait3A_114 = tpu.memref_squeeze %dma_wait3A_113 : memref<1x50x128xi32, #tpu.memory_space<hbm>> -> memref<50x128xi32, #tpu.memory_space<hbm>>
      %dma_wait3A_115 = arith.constant 0 : i32
      %dma_wait3A_116 = arith.constant 0 : i32
      %dma_wait3A_117 = tpu.memref_slice %arg3[%add3A, %dma_wait3A_115, %dma_wait3A_116] : memref<32x50x128xi32, #tpu.memory_space<hbm>> -> memref<1x50x128xi32, #tpu.memory_space<hbm>>
      %dma_wait3A_118 = tpu.memref_squeeze %dma_wait3A_117 : memref<1x50x128xi32, #tpu.memory_space<hbm>> -> memref<50x128xi32, #tpu.memory_space<hbm>>
      tpu.wait_dma2 semaphore(%run_scoped3A : memref<!tpu.dma_semaphore, #tpu.memory_space<semaphore_mem>>) src(%dma_wait3A_118 : memref<50x128xi32, #tpu.memory_space<hbm>>) dst(%arg6 : memref<50x128xi32, #tpu.memory_space<vmem>>)
      tpu.yield
    }) : () -> ()
    "tpu.region"() ({
      %run_scoped3A = tpu.sem_alloc : memref<!tpu.dma_semaphore, #tpu.memory_space<semaphore_mem>>
      tpu.enqueue_dma source(%arg4 : memref<128xf32, #tpu.memory_space<hbm>>) target(%arg7 : memref<128xf32, #tpu.memory_space<vmem>>) target_semaphore(%run_scoped3A : memref<!tpu.dma_semaphore, #tpu.memory_space<semaphore_mem>>)
      tpu.wait_dma2 semaphore(%run_scoped3A : memref<!tpu.dma_semaphore, #tpu.memory_space<semaphore_mem>>) src(%arg4 : memref<128xf32, #tpu.memory_space<hbm>>) dst(%arg7 : memref<128xf32, #tpu.memory_space<vmem>>)
      tpu.yield
    }) : () -> ()
    %rem3A = arith.constant 0 : i32
    %rem3A_3 = arith.constant 6 : i32
    %rem3A_4 = arith.remsi %rem3A, %rem3A_3 : i32
    %dma_start3A = arith.constant 0 : i32
    %dma_start3A_5 = arith.constant 0 : i32
    %dma_start3A_6 = arith.constant 0 : i32
    %dma_start3A_7 = tpu.memref_slice %arg8[%rem3A_4, %dma_start3A_5, %dma_start3A_6] : memref<6x128x128xf32, #tpu.memory_space<vmem>> -> memref<1x128x128xf32, #tpu.memory_space<vmem>>
    %dma_start3A_8 = tpu.memref_squeeze %dma_start3A_7 : memref<1x128x128xf32, #tpu.memory_space<vmem>> -> memref<128x128xf32, #tpu.memory_space<vmem>>
    %dma_start3A_9 = arith.constant 0 : i32
    %dma_start3A_10 = tpu.memref_slice %arg6[%dma_start3A, %dma_start3A_9] : memref<50x128xi32, #tpu.memory_space<vmem>> -> memref<1x128xi32, #tpu.memory_space<vmem>>
    %dma_start3A_11 = tpu.memref_squeeze %dma_start3A_10 : memref<1x128xi32, #tpu.memory_space<vmem>> -> memref<128xi32, #tpu.memory_space<vmem>>
    %dma_start3A_12 = arith.constant 0 : i32
    %dma_start3A_13 = arith.constant 0 : i32
    %dma_start3A_14 = tpu.memref_slice %arg2[%dma_start3A_12, %dma_start3A_13] : memref<100000x128xf32, #tpu.memory_space<hbm>> -> memref<100000x128xf32, #tpu.memory_space<hbm>>
    %dma_start3A_15 = tpu.memref_slice %arg9[%rem3A_4] : memref<6x!tpu.dma_semaphore, #tpu.memory_space<semaphore_mem>> -> memref<1x!tpu.dma_semaphore, #tpu.memory_space<semaphore_mem>>
    %dma_start3A_16 = tpu.memref_squeeze %dma_start3A_15 : memref<1x!tpu.dma_semaphore, #tpu.memory_space<semaphore_mem>> -> memref<!tpu.dma_semaphore, #tpu.memory_space<semaphore_mem>>
    tpu.enqueue_indirect_dma source(%dma_start3A_14 : memref<100000x128xf32, #tpu.memory_space<hbm>>) target(%dma_start3A_8 : memref<128x128xf32, #tpu.memory_space<vmem>>) offsets(%dma_start3A_11 : memref<128xi32, #tpu.memory_space<vmem>>) semaphore(%dma_start3A_16 : memref<!tpu.dma_semaphore, #tpu.memory_space<semaphore_mem>>)
    %rem3A_17 = arith.constant 1 : i32
    %rem3A_18 = arith.constant 6 : i32
    %rem3A_19 = arith.remsi %rem3A_17, %rem3A_18 : i32
    %dma_start3A_20 = arith.constant 1 : i32
    %dma_start3A_21 = arith.constant 0 : i32
    %dma_start3A_22 = arith.constant 0 : i32
    %dma_start3A_23 = tpu.memref_slice %arg8[%rem3A_19, %dma_start3A_21, %dma_start3A_22] : memref<6x128x128xf32, #tpu.memory_space<vmem>> -> memref<1x128x128xf32, #tpu.memory_space<vmem>>
    %dma_start3A_24 = tpu.memref_squeeze %dma_start3A_23 : memref<1x128x128xf32, #tpu.memory_space<vmem>> -> memref<128x128xf32, #tpu.memory_space<vmem>>
    %dma_start3A_25 = arith.constant 0 : i32
    %dma_start3A_26 = tpu.memref_slice %arg6[%dma_start3A_20, %dma_start3A_25] : memref<50x128xi32, #tpu.memory_space<vmem>> -> memref<1x128xi32, #tpu.memory_space<vmem>>
    %dma_start3A_27 = tpu.memref_squeeze %dma_start3A_26 : memref<1x128xi32, #tpu.memory_space<vmem>> -> memref<128xi32, #tpu.memory_space<vmem>>
    %dma_start3A_28 = arith.constant 0 : i32
    %dma_start3A_29 = arith.constant 0 : i32
    %dma_start3A_30 = tpu.memref_slice %arg2[%dma_start3A_28, %dma_start3A_29] : memref<100000x128xf32, #tpu.memory_space<hbm>> -> memref<100000x128xf32, #tpu.memory_space<hbm>>
    %dma_start3A_31 = tpu.memref_slice %arg9[%rem3A_19] : memref<6x!tpu.dma_semaphore, #tpu.memory_space<semaphore_mem>> -> memref<1x!tpu.dma_semaphore, #tpu.memory_space<semaphore_mem>>
    %dma_start3A_32 = tpu.memref_squeeze %dma_start3A_31 : memref<1x!tpu.dma_semaphore, #tpu.memory_space<semaphore_mem>> -> memref<!tpu.dma_semaphore, #tpu.memory_space<semaphore_mem>>
    tpu.enqueue_indirect_dma source(%dma_start3A_30 : memref<100000x128xf32, #tpu.memory_space<hbm>>) target(%dma_start3A_24 : memref<128x128xf32, #tpu.memory_space<vmem>>) offsets(%dma_start3A_27 : memref<128xi32, #tpu.memory_space<vmem>>) semaphore(%dma_start3A_32 : memref<!tpu.dma_semaphore, #tpu.memory_space<semaphore_mem>>)
    %rem3A_33 = arith.constant 2 : i32
    %rem3A_34 = arith.constant 6 : i32
    %rem3A_35 = arith.remsi %rem3A_33, %rem3A_34 : i32
    %dma_start3A_36 = arith.constant 2 : i32
    %dma_start3A_37 = arith.constant 0 : i32
    %dma_start3A_38 = arith.constant 0 : i32
    %dma_start3A_39 = tpu.memref_slice %arg8[%rem3A_35, %dma_start3A_37, %dma_start3A_38] : memref<6x128x128xf32, #tpu.memory_space<vmem>> -> memref<1x128x128xf32, #tpu.memory_space<vmem>>
    %dma_start3A_40 = tpu.memref_squeeze %dma_start3A_39 : memref<1x128x128xf32, #tpu.memory_space<vmem>> -> memref<128x128xf32, #tpu.memory_space<vmem>>
    %dma_start3A_41 = arith.constant 0 : i32
    %dma_start3A_42 = tpu.memref_slice %arg6[%dma_start3A_36, %dma_start3A_41] : memref<50x128xi32, #tpu.memory_space<vmem>> -> memref<1x128xi32, #tpu.memory_space<vmem>>
    %dma_start3A_43 = tpu.memref_squeeze %dma_start3A_42 : memref<1x128xi32, #tpu.memory_space<vmem>> -> memref<128xi32, #tpu.memory_space<vmem>>
    %dma_start3A_44 = arith.constant 0 : i32
    %dma_start3A_45 = arith.constant 0 : i32
    %dma_start3A_46 = tpu.memref_slice %arg2[%dma_start3A_44, %dma_start3A_45] : memref<100000x128xf32, #tpu.memory_space<hbm>> -> memref<100000x128xf32, #tpu.memory_space<hbm>>
    %dma_start3A_47 = tpu.memref_slice %arg9[%rem3A_35] : memref<6x!tpu.dma_semaphore, #tpu.memory_space<semaphore_mem>> -> memref<1x!tpu.dma_semaphore, #tpu.memory_space<semaphore_mem>>
    %dma_start3A_48 = tpu.memref_squeeze %dma_start3A_47 : memref<1x!tpu.dma_semaphore, #tpu.memory_space<semaphore_mem>> -> memref<!tpu.dma_semaphore, #tpu.memory_space<semaphore_mem>>
    tpu.enqueue_indirect_dma source(%dma_start3A_46 : memref<100000x128xf32, #tpu.memory_space<hbm>>) target(%dma_start3A_40 : memref<128x128xf32, #tpu.memory_space<vmem>>) offsets(%dma_start3A_43 : memref<128xi32, #tpu.memory_space<vmem>>) semaphore(%dma_start3A_48 : memref<!tpu.dma_semaphore, #tpu.memory_space<semaphore_mem>>)
    %rem3A_49 = arith.constant 3 : i32
    %rem3A_50 = arith.constant 6 : i32
    %rem3A_51 = arith.remsi %rem3A_49, %rem3A_50 : i32
    %dma_start3A_52 = arith.constant 3 : i32
    %dma_start3A_53 = arith.constant 0 : i32
    %dma_start3A_54 = arith.constant 0 : i32
    %dma_start3A_55 = tpu.memref_slice %arg8[%rem3A_51, %dma_start3A_53, %dma_start3A_54] : memref<6x128x128xf32, #tpu.memory_space<vmem>> -> memref<1x128x128xf32, #tpu.memory_space<vmem>>
    %dma_start3A_56 = tpu.memref_squeeze %dma_start3A_55 : memref<1x128x128xf32, #tpu.memory_space<vmem>> -> memref<128x128xf32, #tpu.memory_space<vmem>>
    %dma_start3A_57 = arith.constant 0 : i32
    %dma_start3A_58 = tpu.memref_slice %arg6[%dma_start3A_52, %dma_start3A_57] : memref<50x128xi32, #tpu.memory_space<vmem>> -> memref<1x128xi32, #tpu.memory_space<vmem>>
    %dma_start3A_59 = tpu.memref_squeeze %dma_start3A_58 : memref<1x128xi32, #tpu.memory_space<vmem>> -> memref<128xi32, #tpu.memory_space<vmem>>
    %dma_start3A_60 = arith.constant 0 : i32
    %dma_start3A_61 = arith.constant 0 : i32
    %dma_start3A_62 = tpu.memref_slice %arg2[%dma_start3A_60, %dma_start3A_61] : memref<100000x128xf32, #tpu.memory_space<hbm>> -> memref<100000x128xf32, #tpu.memory_space<hbm>>
    %dma_start3A_63 = tpu.memref_slice %arg9[%rem3A_51] : memref<6x!tpu.dma_semaphore, #tpu.memory_space<semaphore_mem>> -> memref<1x!tpu.dma_semaphore, #tpu.memory_space<semaphore_mem>>
    %dma_start3A_64 = tpu.memref_squeeze %dma_start3A_63 : memref<1x!tpu.dma_semaphore, #tpu.memory_space<semaphore_mem>> -> memref<!tpu.dma_semaphore, #tpu.memory_space<semaphore_mem>>
    tpu.enqueue_indirect_dma source(%dma_start3A_62 : memref<100000x128xf32, #tpu.memory_space<hbm>>) target(%dma_start3A_56 : memref<128x128xf32, #tpu.memory_space<vmem>>) offsets(%dma_start3A_59 : memref<128xi32, #tpu.memory_space<vmem>>) semaphore(%dma_start3A_64 : memref<!tpu.dma_semaphore, #tpu.memory_space<semaphore_mem>>)
    %rem3A_65 = arith.constant 4 : i32
    %rem3A_66 = arith.constant 6 : i32
    %rem3A_67 = arith.remsi %rem3A_65, %rem3A_66 : i32
    %dma_start3A_68 = arith.constant 4 : i32
    %dma_start3A_69 = arith.constant 0 : i32
    %dma_start3A_70 = arith.constant 0 : i32
    %dma_start3A_71 = tpu.memref_slice %arg8[%rem3A_67, %dma_start3A_69, %dma_start3A_70] : memref<6x128x128xf32, #tpu.memory_space<vmem>> -> memref<1x128x128xf32, #tpu.memory_space<vmem>>
    %dma_start3A_72 = tpu.memref_squeeze %dma_start3A_71 : memref<1x128x128xf32, #tpu.memory_space<vmem>> -> memref<128x128xf32, #tpu.memory_space<vmem>>
    %dma_start3A_73 = arith.constant 0 : i32
    %dma_start3A_74 = tpu.memref_slice %arg6[%dma_start3A_68, %dma_start3A_73] : memref<50x128xi32, #tpu.memory_space<vmem>> -> memref<1x128xi32, #tpu.memory_space<vmem>>
    %dma_start3A_75 = tpu.memref_squeeze %dma_start3A_74 : memref<1x128xi32, #tpu.memory_space<vmem>> -> memref<128xi32, #tpu.memory_space<vmem>>
    %dma_start3A_76 = arith.constant 0 : i32
    %dma_start3A_77 = arith.constant 0 : i32
    %dma_start3A_78 = tpu.memref_slice %arg2[%dma_start3A_76, %dma_start3A_77] : memref<100000x128xf32, #tpu.memory_space<hbm>> -> memref<100000x128xf32, #tpu.memory_space<hbm>>
    %dma_start3A_79 = tpu.memref_slice %arg9[%rem3A_67] : memref<6x!tpu.dma_semaphore, #tpu.memory_space<semaphore_mem>> -> memref<1x!tpu.dma_semaphore, #tpu.memory_space<semaphore_mem>>
    %dma_start3A_80 = tpu.memref_squeeze %dma_start3A_79 : memref<1x!tpu.dma_semaphore, #tpu.memory_space<semaphore_mem>> -> memref<!tpu.dma_semaphore, #tpu.memory_space<semaphore_mem>>
    tpu.enqueue_indirect_dma source(%dma_start3A_78 : memref<100000x128xf32, #tpu.memory_space<hbm>>) target(%dma_start3A_72 : memref<128x128xf32, #tpu.memory_space<vmem>>) offsets(%dma_start3A_75 : memref<128xi32, #tpu.memory_space<vmem>>) semaphore(%dma_start3A_80 : memref<!tpu.dma_semaphore, #tpu.memory_space<semaphore_mem>>)
    %scan3A = arith.constant 0 : i32
    %scan3A_81 = arith.constant 0 : i32
    %scan3A_82 = arith.constant 50 : i32
    %scan3A_83 = arith.addi %scan3A_81, %scan3A_82 : i32
    %scan3A_84 = arith.constant 1 : i32
    scf.for %scan3A_103 = %scan3A_81 to %scan3A_83 step %scan3A_84  : i32 {
      %rem3A_104 = arith.constant 6 : i32
      %rem3A_105 = arith.remsi %scan3A_103, %rem3A_104 : i32
      %dma_wait3A_106 = arith.constant 0 : i32
      %dma_wait3A_107 = arith.constant 0 : i32
      %dma_wait3A_108 = tpu.memref_slice %arg8[%rem3A_105, %dma_wait3A_106, %dma_wait3A_107] : memref<6x128x128xf32, #tpu.memory_space<vmem>> -> memref<1x128x128xf32, #tpu.memory_space<vmem>>
      %dma_wait3A_109 = tpu.memref_squeeze %dma_wait3A_108 : memref<1x128x128xf32, #tpu.memory_space<vmem>> -> memref<128x128xf32, #tpu.memory_space<vmem>>
      %dma_wait3A_110 = arith.constant 0 : i32
      %dma_wait3A_111 = tpu.memref_slice %arg6[%scan3A_103, %dma_wait3A_110] : memref<50x128xi32, #tpu.memory_space<vmem>> -> memref<1x128xi32, #tpu.memory_space<vmem>>
      %dma_wait3A_112 = tpu.memref_squeeze %dma_wait3A_111 : memref<1x128xi32, #tpu.memory_space<vmem>> -> memref<128xi32, #tpu.memory_space<vmem>>
      %dma_wait3A_113 = arith.constant 0 : i32
      %dma_wait3A_114 = arith.constant 0 : i32
      %dma_wait3A_115 = tpu.memref_slice %arg2[%dma_wait3A_113, %dma_wait3A_114] : memref<100000x128xf32, #tpu.memory_space<hbm>> -> memref<100000x128xf32, #tpu.memory_space<hbm>>
      %dma_wait3A_116 = tpu.memref_slice %arg9[%rem3A_105] : memref<6x!tpu.dma_semaphore, #tpu.memory_space<semaphore_mem>> -> memref<1x!tpu.dma_semaphore, #tpu.memory_space<semaphore_mem>>
      %dma_wait3A_117 = tpu.memref_squeeze %dma_wait3A_116 : memref<1x!tpu.dma_semaphore, #tpu.memory_space<semaphore_mem>> -> memref<!tpu.dma_semaphore, #tpu.memory_space<semaphore_mem>>
      tpu.wait_indirect_dma semaphore(%dma_wait3A_117 : memref<!tpu.dma_semaphore, #tpu.memory_space<semaphore_mem>>) src(%dma_wait3A_115 : memref<100000x128xf32, #tpu.memory_space<hbm>>) dst(%dma_wait3A_109 : memref<128x128xf32, #tpu.memory_space<vmem>>)
      %parallel_loop3A = arith.constant 0 : i32
      %parallel_loop3A_118 = arith.constant 128 : i32
      %parallel_loop3A_119 = arith.constant 1 : i32
      scf.for %parallel_loop3A_145 = %parallel_loop3A to %parallel_loop3A_118 step %parallel_loop3A_119  : i32 {
        %parallel_loop3A_146 = arith.constant 0 : i32
        %parallel_loop3A_147 = arith.constant 0 : i32
        %parallel_loop3A_148 = tpu.memref_slice %arg8[%rem3A_105, %parallel_loop3A_146, %parallel_loop3A_147] : memref<6x128x128xf32, #tpu.memory_space<vmem>> -> memref<1x128x128xf32, #tpu.memory_space<vmem>>
        %parallel_loop3A_149 = tpu.memref_squeeze %parallel_loop3A_148 : memref<1x128x128xf32, #tpu.memory_space<vmem>> -> memref<128x128xf32, #tpu.memory_space<vmem>>
        %parallel_loop3A_150 = arith.index_cast %parallel_loop3A_145 : i32 to index
        %parallel_loop3A_151 = arith.constant 0 : index
        %parallel_loop3A_152 = tpu.vector_load %parallel_loop3A_149[%parallel_loop3A_150, %parallel_loop3A_151] {strides = array<i32>} : memref<128x128xf32, #tpu.memory_space<vmem>>, vector<16xf32>,
        %parallel_loop3A_153 = arith.mulf %parallel_loop3A_152, %parallel_loop3A_152 : vector<16xf32>
        %parallel_loop3A_154 = arith.constant 0 : i32
        %parallel_loop3A_155 = arith.constant 0 : i32
        %parallel_loop3A_156 = tpu.memref_slice %arg8[%rem3A_105, %parallel_loop3A_154, %parallel_loop3A_155] : memref<6x128x128xf32, #tpu.memory_space<vmem>> -> memref<1x128x128xf32, #tpu.memory_space<vmem>>
        %parallel_loop3A_157 = tpu.memref_squeeze %parallel_loop3A_156 : memref<1x128x128xf32, #tpu.memory_space<vmem>> -> memref<128x128xf32, #tpu.memory_space<vmem>>
        %parallel_loop3A_158 = arith.index_cast %parallel_loop3A_145 : i32 to index
        %parallel_loop3A_159 = arith.constant 16 : index
        %parallel_loop3A_160 = tpu.vector_load %parallel_loop3A_157[%parallel_loop3A_158, %parallel_loop3A_159] {strides = array<i32>} : memref<128x128xf32, #tpu.memory_space<vmem>>, vector<16xf32>,
        %parallel_loop3A_161 = arith.mulf %parallel_loop3A_160, %parallel_loop3A_160 : vector<16xf32>
        %parallel_loop3A_162 = arith.addf %parallel_loop3A_153, %parallel_loop3A_161 : vector<16xf32>
        %parallel_loop3A_163 = arith.constant 0 : i32
        %parallel_loop3A_164 = arith.constant 0 : i32
        %parallel_loop3A_165 = tpu.memref_slice %arg8[%rem3A_105, %parallel_loop3A_163, %parallel_loop3A_164] : memref<6x128x128xf32, #tpu.memory_space<vmem>> -> memref<1x128x128xf32, #tpu.memory_space<vmem>>
        %parallel_loop3A_166 = tpu.memref_squeeze %parallel_loop3A_165 : memref<1x128x128xf32, #tpu.memory_space<vmem>> -> memref<128x128xf32, #tpu.memory_space<vmem>>
        %parallel_loop3A_167 = arith.index_cast %parallel_loop3A_145 : i32 to index
        %parallel_loop3A_168 = arith.constant 32 : index
        %parallel_loop3A_169 = tpu.vector_load %parallel_loop3A_166[%parallel_loop3A_167, %parallel_loop3A_168] {strides = array<i32>} : memref<128x128xf32, #tpu.memory_space<vmem>>, vector<16xf32>,
        %parallel_loop3A_170 = arith.mulf %parallel_loop3A_169, %parallel_loop3A_169 : vector<16xf32>
        %parallel_loop3A_171 = arith.addf %parallel_loop3A_162, %parallel_loop3A_170 : vector<16xf32>
        %parallel_loop3A_172 = arith.constant 0 : i32
        %parallel_loop3A_173 = arith.constant 0 : i32
        %parallel_loop3A_174 = tpu.memref_slice %arg8[%rem3A_105, %parallel_loop3A_172, %parallel_loop3A_173] : memref<6x128x128xf32, #tpu.memory_space<vmem>> -> memref<1x128x128xf32, #tpu.memory_space<vmem>>
        %parallel_loop3A_175 = tpu.memref_squeeze %parallel_loop3A_174 : memref<1x128x128xf32, #tpu.memory_space<vmem>> -> memref<128x128xf32, #tpu.memory_space<vmem>>
        %parallel_loop3A_176 = arith.index_cast %parallel_loop3A_145 : i32 to index
        %parallel_loop3A_177 = arith.constant 48 : index
        %parallel_loop3A_178 = tpu.vector_load %parallel_loop3A_175[%parallel_loop3A_176, %parallel_loop3A_177] {strides = array<i32>} : memref<128x128xf32, #tpu.memory_space<vmem>>, vector<16xf32>,
        %parallel_loop3A_179 = arith.mulf %parallel_loop3A_178, %parallel_loop3A_178 : vector<16xf32>
        %parallel_loop3A_180 = arith.addf %parallel_loop3A_171, %parallel_loop3A_179 : vector<16xf32>
        %parallel_loop3A_181 = arith.constant 0 : i32
        %parallel_loop3A_182 = arith.constant 0 : i32
        %parallel_loop3A_183 = tpu.memref_slice %arg8[%rem3A_105, %parallel_loop3A_181, %parallel_loop3A_182] : memref<6x128x128xf32, #tpu.memory_space<vmem>> -> memref<1x128x128xf32, #tpu.memory_space<vmem>>
        %parallel_loop3A_184 = tpu.memref_squeeze %parallel_loop3A_183 : memref<1x128x128xf32, #tpu.memory_space<vmem>> -> memref<128x128xf32, #tpu.memory_space<vmem>>
        %parallel_loop3A_185 = arith.index_cast %parallel_loop3A_145 : i32 to index
        %parallel_loop3A_186 = arith.constant 64 : index
        %parallel_loop3A_187 = tpu.vector_load %parallel_loop3A_184[%parallel_loop3A_185, %parallel_loop3A_186] {strides = array<i32>} : memref<128x128xf32, #tpu.memory_space<vmem>>, vector<16xf32>,
        %parallel_loop3A_188 = arith.mulf %parallel_loop3A_187, %parallel_loop3A_187 : vector<16xf32>
        %parallel_loop3A_189 = arith.addf %parallel_loop3A_180, %parallel_loop3A_188 : vector<16xf32>
        %parallel_loop3A_190 = arith.constant 0 : i32
        %parallel_loop3A_191 = arith.constant 0 : i32
        %parallel_loop3A_192 = tpu.memref_slice %arg8[%rem3A_105, %parallel_loop3A_190, %parallel_loop3A_191] : memref<6x128x128xf32, #tpu.memory_space<vmem>> -> memref<1x128x128xf32, #tpu.memory_space<vmem>>
        %parallel_loop3A_193 = tpu.memref_squeeze %parallel_loop3A_192 : memref<1x128x128xf32, #tpu.memory_space<vmem>> -> memref<128x128xf32, #tpu.memory_space<vmem>>
        %parallel_loop3A_194 = arith.index_cast %parallel_loop3A_145 : i32 to index
        %parallel_loop3A_195 = arith.constant 80 : index
        %parallel_loop3A_196 = tpu.vector_load %parallel_loop3A_193[%parallel_loop3A_194, %parallel_loop3A_195] {strides = array<i32>} : memref<128x128xf32, #tpu.memory_space<vmem>>, vector<16xf32>,
        %parallel_loop3A_197 = arith.mulf %parallel_loop3A_196, %parallel_loop3A_196 : vector<16xf32>
        %parallel_loop3A_198 = arith.addf %parallel_loop3A_189, %parallel_loop3A_197 : vector<16xf32>
        %parallel_loop3A_199 = arith.constant 0 : i32
        %parallel_loop3A_200 = arith.constant 0 : i32
        %parallel_loop3A_201 = tpu.memref_slice %arg8[%rem3A_105, %parallel_loop3A_199, %parallel_loop3A_200] : memref<6x128x128xf32, #tpu.memory_space<vmem>> -> memref<1x128x128xf32, #tpu.memory_space<vmem>>
        %parallel_loop3A_202 = tpu.memref_squeeze %parallel_loop3A_201 : memref<1x128x128xf32, #tpu.memory_space<vmem>> -> memref<128x128xf32, #tpu.memory_space<vmem>>
        %parallel_loop3A_203 = arith.index_cast %parallel_loop3A_145 : i32 to index
        %parallel_loop3A_204 = arith.constant 96 : index
        %parallel_loop3A_205 = tpu.vector_load %parallel_loop3A_202[%parallel_loop3A_203, %parallel_loop3A_204] {strides = array<i32>} : memref<128x128xf32, #tpu.memory_space<vmem>>, vector<16xf32>,
        %parallel_loop3A_206 = arith.mulf %parallel_loop3A_205, %parallel_loop3A_205 : vector<16xf32>
        %parallel_loop3A_207 = arith.addf %parallel_loop3A_198, %parallel_loop3A_206 : vector<16xf32>
        %parallel_loop3A_208 = arith.constant 0 : i32
        %parallel_loop3A_209 = arith.constant 0 : i32
        %parallel_loop3A_210 = tpu.memref_slice %arg8[%rem3A_105, %parallel_loop3A_208, %parallel_loop3A_209] : memref<6x128x128xf32, #tpu.memory_space<vmem>> -> memref<1x128x128xf32, #tpu.memory_space<vmem>>
        %parallel_loop3A_211 = tpu.memref_squeeze %parallel_loop3A_210 : memref<1x128x128xf32, #tpu.memory_space<vmem>> -> memref<128x128xf32, #tpu.memory_space<vmem>>
        %parallel_loop3A_212 = arith.index_cast %parallel_loop3A_145 : i32 to index
        %parallel_loop3A_213 = arith.constant 112 : index
        %parallel_loop3A_214 = tpu.vector_load %parallel_loop3A_211[%parallel_loop3A_212, %parallel_loop3A_213] {strides = array<i32>} : memref<128x128xf32, #tpu.memory_space<vmem>>, vector<16xf32>,
        %parallel_loop3A_215 = arith.mulf %parallel_loop3A_214, %parallel_loop3A_214 : vector<16xf32>
        %parallel_loop3A_216 = arith.addf %parallel_loop3A_207, %parallel_loop3A_215 : vector<16xf32>
        %parallel_loop3A_217 = arith.constant true
        %parallel_loop3A_218 = vector.broadcast %parallel_loop3A_217 : i1 to vector<16xi1>
        %parallel_loop3A_219 = tpu.scan <sum>, %parallel_loop3A_216 masked %parallel_loop3A_218 : vector<16xf32>, vector<16xi1> -> vector<16xf32>
        %parallel_loop3A_220 = vector.extract %parallel_loop3A_219[15] : f32 from vector<16xf32>
        %parallel_loop3A_221 = arith.constant 7.812500e-03 : f32
        %parallel_loop3A_222 = arith.mulf %parallel_loop3A_220, %parallel_loop3A_221 : f32
        %parallel_loop3A_223 = arith.constant 9.99999997E-7 : f32
        %parallel_loop3A_224 = arith.addf %parallel_loop3A_222, %parallel_loop3A_223 : f32
        %parallel_loop3A_225 = arith.bitcast %parallel_loop3A_224 : f32 to i32
        %parallel_loop3A_226 = arith.constant 1 : i32
        %parallel_loop3A_227 = arith.shrui %parallel_loop3A_225, %parallel_loop3A_226 : i32
        %parallel_loop3A_228 = arith.constant 1597463007 : i32
        %parallel_loop3A_229 = arith.subi %parallel_loop3A_228, %parallel_loop3A_227 : i32
        %parallel_loop3A_230 = arith.bitcast %parallel_loop3A_229 : i32 to f32
        %parallel_loop3A_231 = arith.constant 5.000000e-01 : f32
        %parallel_loop3A_232 = arith.mulf %parallel_loop3A_224, %parallel_loop3A_231 : f32
        %parallel_loop3A_233 = arith.mulf %parallel_loop3A_232, %parallel_loop3A_230 : f32
        %parallel_loop3A_234 = arith.mulf %parallel_loop3A_233, %parallel_loop3A_230 : f32
        %parallel_loop3A_235 = arith.constant 1.500000e+00 : f32
        %parallel_loop3A_236 = arith.subf %parallel_loop3A_235, %parallel_loop3A_234 : f32
        %parallel_loop3A_237 = arith.mulf %parallel_loop3A_230, %parallel_loop3A_236 : f32
        %parallel_loop3A_238 = arith.mulf %parallel_loop3A_232, %parallel_loop3A_237 : f32
        %parallel_loop3A_239 = arith.mulf %parallel_loop3A_238, %parallel_loop3A_237 : f32
        %parallel_loop3A_240 = arith.constant 1.500000e+00 : f32
        %parallel_loop3A_241 = arith.subf %parallel_loop3A_240, %parallel_loop3A_239 : f32
        %parallel_loop3A_242 = arith.mulf %parallel_loop3A_237, %parallel_loop3A_241 : f32
        %parallel_loop3A_243 = vector.broadcast %parallel_loop3A_242 : f32 to vector<16xf32>
        %parallel_loop3A_244 = arith.constant 0 : index
        %parallel_loop3A_245 = tpu.vector_load %arg7[%parallel_loop3A_244] {strides = array<i32>} : memref<128xf32, #tpu.memory_space<vmem>>, vector<16xf32>,
        %parallel_loop3A_246 = arith.mulf %parallel_loop3A_243, %parallel_loop3A_245 : vector<16xf32>
        %parallel_loop3A_247 = arith.mulf %parallel_loop3A_152, %parallel_loop3A_246 : vector<16xf32>
        %parallel_loop3A_248 = arith.constant 0 : i32
        %parallel_loop3A_249 = arith.constant 0 : i32
        %parallel_loop3A_250 = tpu.memref_slice %arg8[%rem3A_105, %parallel_loop3A_248, %parallel_loop3A_249] : memref<6x128x128xf32, #tpu.memory_space<vmem>> -> memref<1x128x128xf32, #tpu.memory_space<vmem>>
        %parallel_loop3A_251 = tpu.memref_squeeze %parallel_loop3A_250 : memref<1x128x128xf32, #tpu.memory_space<vmem>> -> memref<128x128xf32, #tpu.memory_space<vmem>>
        %parallel_loop3A_252 = arith.index_cast %parallel_loop3A_145 : i32 to index
        %parallel_loop3A_253 = arith.constant 0 : index
        %parallel_loop3A_254 = tpu.vector_load %parallel_loop3A_251[%parallel_loop3A_252, %parallel_loop3A_253] {strides = array<i32>} : memref<128x128xf32, #tpu.memory_space<vmem>>, vector<16xf32>,
        tpu.vector_store %parallel_loop3A_251[%parallel_loop3A_252, %parallel_loop3A_253], %parallel_loop3A_247 {strides = array<i32>} : memref<128x128xf32, #tpu.memory_space<vmem>>, vector<16xf32>,
        %parallel_loop3A_255 = arith.constant 16 : index
        %parallel_loop3A_256 = tpu.vector_load %arg7[%parallel_loop3A_255] {strides = array<i32>} : memref<128xf32, #tpu.memory_space<vmem>>, vector<16xf32>,
        %parallel_loop3A_257 = arith.mulf %parallel_loop3A_243, %parallel_loop3A_256 : vector<16xf32>
        %parallel_loop3A_258 = arith.mulf %parallel_loop3A_160, %parallel_loop3A_257 : vector<16xf32>
        %parallel_loop3A_259 = arith.constant 0 : i32
        %parallel_loop3A_260 = arith.constant 0 : i32
        %parallel_loop3A_261 = tpu.memref_slice %arg8[%rem3A_105, %parallel_loop3A_259, %parallel_loop3A_260] : memref<6x128x128xf32, #tpu.memory_space<vmem>> -> memref<1x128x128xf32, #tpu.memory_space<vmem>>
        %parallel_loop3A_262 = tpu.memref_squeeze %parallel_loop3A_261 : memref<1x128x128xf32, #tpu.memory_space<vmem>> -> memref<128x128xf32, #tpu.memory_space<vmem>>
        %parallel_loop3A_263 = arith.index_cast %parallel_loop3A_145 : i32 to index
        %parallel_loop3A_264 = arith.constant 16 : index
        %parallel_loop3A_265 = tpu.vector_load %parallel_loop3A_262[%parallel_loop3A_263, %parallel_loop3A_264] {strides = array<i32>} : memref<128x128xf32, #tpu.memory_space<vmem>>, vector<16xf32>,
        tpu.vector_store %parallel_loop3A_262[%parallel_loop3A_263, %parallel_loop3A_264], %parallel_loop3A_258 {strides = array<i32>} : memref<128x128xf32, #tpu.memory_space<vmem>>, vector<16xf32>,
        %parallel_loop3A_266 = arith.constant 32 : index
        %parallel_loop3A_267 = tpu.vector_load %arg7[%parallel_loop3A_266] {strides = array<i32>} : memref<128xf32, #tpu.memory_space<vmem>>, vector<16xf32>,
        %parallel_loop3A_268 = arith.mulf %parallel_loop3A_243, %parallel_loop3A_267 : vector<16xf32>
        %parallel_loop3A_269 = arith.mulf %parallel_loop3A_169, %parallel_loop3A_268 : vector<16xf32>
        %parallel_loop3A_270 = arith.constant 0 : i32
        %parallel_loop3A_271 = arith.constant 0 : i32
        %parallel_loop3A_272 = tpu.memref_slice %arg8[%rem3A_105, %parallel_loop3A_270, %parallel_loop3A_271] : memref<6x128x128xf32, #tpu.memory_space<vmem>> -> memref<1x128x128xf32, #tpu.memory_space<vmem>>
        %parallel_loop3A_273 = tpu.memref_squeeze %parallel_loop3A_272 : memref<1x128x128xf32, #tpu.memory_space<vmem>> -> memref<128x128xf32, #tpu.memory_space<vmem>>
        %parallel_loop3A_274 = arith.index_cast %parallel_loop3A_145 : i32 to index
        %parallel_loop3A_275 = arith.constant 32 : index
        %parallel_loop3A_276 = tpu.vector_load %parallel_loop3A_273[%parallel_loop3A_274, %parallel_loop3A_275] {strides = array<i32>} : memref<128x128xf32, #tpu.memory_space<vmem>>, vector<16xf32>,
        tpu.vector_store %parallel_loop3A_273[%parallel_loop3A_274, %parallel_loop3A_275], %parallel_loop3A_269 {strides = array<i32>} : memref<128x128xf32, #tpu.memory_space<vmem>>, vector<16xf32>,
        %parallel_loop3A_277 = arith.constant 48 : index
        %parallel_loop3A_278 = tpu.vector_load %arg7[%parallel_loop3A_277] {strides = array<i32>} : memref<128xf32, #tpu.memory_space<vmem>>, vector<16xf32>,
        %parallel_loop3A_279 = arith.mulf %parallel_loop3A_243, %parallel_loop3A_278 : vector<16xf32>
        %parallel_loop3A_280 = arith.mulf %parallel_loop3A_178, %parallel_loop3A_279 : vector<16xf32>
        %parallel_loop3A_281 = arith.constant 0 : i32
        %parallel_loop3A_282 = arith.constant 0 : i32
        %parallel_loop3A_283 = tpu.memref_slice %arg8[%rem3A_105, %parallel_loop3A_281, %parallel_loop3A_282] : memref<6x128x128xf32, #tpu.memory_space<vmem>> -> memref<1x128x128xf32, #tpu.memory_space<vmem>>
        %parallel_loop3A_284 = tpu.memref_squeeze %parallel_loop3A_283 : memref<1x128x128xf32, #tpu.memory_space<vmem>> -> memref<128x128xf32, #tpu.memory_space<vmem>>
        %parallel_loop3A_285 = arith.index_cast %parallel_loop3A_145 : i32 to index
        %parallel_loop3A_286 = arith.constant 48 : index
        %parallel_loop3A_287 = tpu.vector_load %parallel_loop3A_284[%parallel_loop3A_285, %parallel_loop3A_286] {strides = array<i32>} : memref<128x128xf32, #tpu.memory_space<vmem>>, vector<16xf32>,
        tpu.vector_store %parallel_loop3A_284[%parallel_loop3A_285, %parallel_loop3A_286], %parallel_loop3A_280 {strides = array<i32>} : memref<128x128xf32, #tpu.memory_space<vmem>>, vector<16xf32>,
        %parallel_loop3A_288 = arith.constant 64 : index
        %parallel_loop3A_289 = tpu.vector_load %arg7[%parallel_loop3A_288] {strides = array<i32>} : memref<128xf32, #tpu.memory_space<vmem>>, vector<16xf32>,
        %parallel_loop3A_290 = arith.mulf %parallel_loop3A_243, %parallel_loop3A_289 : vector<16xf32>
        %parallel_loop3A_291 = arith.mulf %parallel_loop3A_187, %parallel_loop3A_290 : vector<16xf32>
        %parallel_loop3A_292 = arith.constant 0 : i32
        %parallel_loop3A_293 = arith.constant 0 : i32
        %parallel_loop3A_294 = tpu.memref_slice %arg8[%rem3A_105, %parallel_loop3A_292, %parallel_loop3A_293] : memref<6x128x128xf32, #tpu.memory_space<vmem>> -> memref<1x128x128xf32, #tpu.memory_space<vmem>>
        %parallel_loop3A_295 = tpu.memref_squeeze %parallel_loop3A_294 : memref<1x128x128xf32, #tpu.memory_space<vmem>> -> memref<128x128xf32, #tpu.memory_space<vmem>>
        %parallel_loop3A_296 = arith.index_cast %parallel_loop3A_145 : i32 to index
        %parallel_loop3A_297 = arith.constant 64 : index
        %parallel_loop3A_298 = tpu.vector_load %parallel_loop3A_295[%parallel_loop3A_296, %parallel_loop3A_297] {strides = array<i32>} : memref<128x128xf32, #tpu.memory_space<vmem>>, vector<16xf32>,
        tpu.vector_store %parallel_loop3A_295[%parallel_loop3A_296, %parallel_loop3A_297], %parallel_loop3A_291 {strides = array<i32>} : memref<128x128xf32, #tpu.memory_space<vmem>>, vector<16xf32>,
        %parallel_loop3A_299 = arith.constant 80 : index
        %parallel_loop3A_300 = tpu.vector_load %arg7[%parallel_loop3A_299] {strides = array<i32>} : memref<128xf32, #tpu.memory_space<vmem>>, vector<16xf32>,
        %parallel_loop3A_301 = arith.mulf %parallel_loop3A_243, %parallel_loop3A_300 : vector<16xf32>
        %parallel_loop3A_302 = arith.mulf %parallel_loop3A_196, %parallel_loop3A_301 : vector<16xf32>
        %parallel_loop3A_303 = arith.constant 0 : i32
        %parallel_loop3A_304 = arith.constant 0 : i32
        %parallel_loop3A_305 = tpu.memref_slice %arg8[%rem3A_105, %parallel_loop3A_303, %parallel_loop3A_304] : memref<6x128x128xf32, #tpu.memory_space<vmem>> -> memref<1x128x128xf32, #tpu.memory_space<vmem>>
        %parallel_loop3A_306 = tpu.memref_squeeze %parallel_loop3A_305 : memref<1x128x128xf32, #tpu.memory_space<vmem>> -> memref<128x128xf32, #tpu.memory_space<vmem>>
        %parallel_loop3A_307 = arith.index_cast %parallel_loop3A_145 : i32 to index
        %parallel_loop3A_308 = arith.constant 80 : index
        %parallel_loop3A_309 = tpu.vector_load %parallel_loop3A_306[%parallel_loop3A_307, %parallel_loop3A_308] {strides = array<i32>} : memref<128x128xf32, #tpu.memory_space<vmem>>, vector<16xf32>,
        tpu.vector_store %parallel_loop3A_306[%parallel_loop3A_307, %parallel_loop3A_308], %parallel_loop3A_302 {strides = array<i32>} : memref<128x128xf32, #tpu.memory_space<vmem>>, vector<16xf32>,
        %parallel_loop3A_310 = arith.constant 96 : index
        %parallel_loop3A_311 = tpu.vector_load %arg7[%parallel_loop3A_310] {strides = array<i32>} : memref<128xf32, #tpu.memory_space<vmem>>, vector<16xf32>,
        %parallel_loop3A_312 = arith.mulf %parallel_loop3A_243, %parallel_loop3A_311 : vector<16xf32>
        %parallel_loop3A_313 = arith.mulf %parallel_loop3A_205, %parallel_loop3A_312 : vector<16xf32>
        %parallel_loop3A_314 = arith.constant 0 : i32
        %parallel_loop3A_315 = arith.constant 0 : i32
        %parallel_loop3A_316 = tpu.memref_slice %arg8[%rem3A_105, %parallel_loop3A_314, %parallel_loop3A_315] : memref<6x128x128xf32, #tpu.memory_space<vmem>> -> memref<1x128x128xf32, #tpu.memory_space<vmem>>
        %parallel_loop3A_317 = tpu.memref_squeeze %parallel_loop3A_316 : memref<1x128x128xf32, #tpu.memory_space<vmem>> -> memref<128x128xf32, #tpu.memory_space<vmem>>
        %parallel_loop3A_318 = arith.index_cast %parallel_loop3A_145 : i32 to index
        %parallel_loop3A_319 = arith.constant 96 : index
        %parallel_loop3A_320 = tpu.vector_load %parallel_loop3A_317[%parallel_loop3A_318, %parallel_loop3A_319] {strides = array<i32>} : memref<128x128xf32, #tpu.memory_space<vmem>>, vector<16xf32>,
        tpu.vector_store %parallel_loop3A_317[%parallel_loop3A_318, %parallel_loop3A_319], %parallel_loop3A_313 {strides = array<i32>} : memref<128x128xf32, #tpu.memory_space<vmem>>, vector<16xf32>,
        %parallel_loop3A_321 = arith.constant 112 : index
        %parallel_loop3A_322 = tpu.vector_load %arg7[%parallel_loop3A_321] {strides = array<i32>} : memref<128xf32, #tpu.memory_space<vmem>>, vector<16xf32>,
        %parallel_loop3A_323 = arith.mulf %parallel_loop3A_243, %parallel_loop3A_322 : vector<16xf32>
        %parallel_loop3A_324 = arith.mulf %parallel_loop3A_214, %parallel_loop3A_323 : vector<16xf32>
        %parallel_loop3A_325 = arith.constant 0 : i32
        %parallel_loop3A_326 = arith.constant 0 : i32
        %parallel_loop3A_327 = tpu.memref_slice %arg8[%rem3A_105, %parallel_loop3A_325, %parallel_loop3A_326] : memref<6x128x128xf32, #tpu.memory_space<vmem>> -> memref<1x128x128xf32, #tpu.memory_space<vmem>>
        %parallel_loop3A_328 = tpu.memref_squeeze %parallel_loop3A_327 : memref<1x128x128xf32, #tpu.memory_space<vmem>> -> memref<128x128xf32, #tpu.memory_space<vmem>>
        %parallel_loop3A_329 = arith.index_cast %parallel_loop3A_145 : i32 to index
        %parallel_loop3A_330 = arith.constant 112 : index
        %parallel_loop3A_331 = tpu.vector_load %parallel_loop3A_328[%parallel_loop3A_329, %parallel_loop3A_330] {strides = array<i32>} : memref<128x128xf32, #tpu.memory_space<vmem>>, vector<16xf32>,
        tpu.vector_store %parallel_loop3A_328[%parallel_loop3A_329, %parallel_loop3A_330], %parallel_loop3A_324 {strides = array<i32>} : memref<128x128xf32, #tpu.memory_space<vmem>>, vector<16xf32>,
      } {sc.loop_unroll_factor = 1 : i64, sc.parallel_access}
      %mul3A_120 = arith.constant 128 : i32
      %mul3A_121 = arith.muli %scan3A_103, %mul3A_120 : i32
      %add3A_122 = arith.addi %mul3A_2, %mul3A_121 : i32
      %dma_start3A_123 = arith.constant 0 : i32
      %dma_start3A_124 = arith.constant 0 : i32
      %dma_start3A_125 = tpu.memref_slice %arg8[%rem3A_105, %dma_start3A_123, %dma_start3A_124] : memref<6x128x128xf32, #tpu.memory_space<vmem>> -> memref<1x128x128xf32, #tpu.memory_space<vmem>>
      %dma_start3A_126 = tpu.memref_squeeze %dma_start3A_125 : memref<1x128x128xf32, #tpu.memory_space<vmem>> -> memref<128x128xf32, #tpu.memory_space<vmem>>
      %dma_start3A_127 = arith.constant 0 : i32
      %dma_start3A_128 = tpu.memref_slice %arg5[%add3A_122, %dma_start3A_127] : memref<204800x128xf32, #tpu.memory_space<hbm>> -> memref<128x128xf32, #tpu.memory_space<hbm>>
      %dma_start3A_129 = tpu.memref_slice %arg10[%rem3A_105] : memref<6x!tpu.dma_semaphore, #tpu.memory_space<semaphore_mem>> -> memref<1x!tpu.dma_semaphore, #tpu.memory_space<semaphore_mem>>
      %dma_start3A_130 = tpu.memref_squeeze %dma_start3A_129 : memref<1x!tpu.dma_semaphore, #tpu.memory_space<semaphore_mem>> -> memref<!tpu.dma_semaphore, #tpu.memory_space<semaphore_mem>>
      %dma_start3A_131 = arith.constant 0 : i32
      %dma_start3A_132 = tpu.memref_slice %arg5[%add3A_122, %dma_start3A_131] : memref<204800x128xf32, #tpu.memory_space<hbm>> -> memref<128x128xf32, #tpu.memory_space<hbm>>
      %dma_start3A_133 = arith.constant 0 : i32
      %dma_start3A_134 = arith.constant 0 : i32
      %dma_start3A_135 = tpu.memref_slice %arg8[%rem3A_105, %dma_start3A_133, %dma_start3A_134] : memref<6x128x128xf32, #tpu.memory_space<vmem>> -> memref<1x128x128xf32, #tpu.memory_space<vmem>>
      %dma_start3A_136 = tpu.memref_squeeze %dma_start3A_135 : memref<1x128x128xf32, #tpu.memory_space<vmem>> -> memref<128x128xf32, #tpu.memory_space<vmem>>
      tpu.enqueue_dma source(%dma_start3A_136 : memref<128x128xf32, #tpu.memory_space<vmem>>) target(%dma_start3A_132 : memref<128x128xf32, #tpu.memory_space<hbm>>) target_semaphore(%dma_start3A_130 : memref<!tpu.dma_semaphore, #tpu.memory_space<semaphore_mem>>)
      %ge3A = arith.constant 1 : i32
      %ge3A_137 = arith.cmpi sge, %scan3A_103, %ge3A : i32
      %convert_element_type3A = arith.extui %ge3A_137 : i1 to i32
      %cond3A = arith.constant 0 : i32
      %cond3A_138 = arith.cmpi ne, %convert_element_type3A, %cond3A : i32
      scf.if %cond3A_138 {
        %add3A_145 = arith.constant 5 : i32
        %add3A_146 = arith.addi %scan3A_103, %add3A_145 : i32
        %rem3A_147 = arith.constant 6 : i32
        %rem3A_148 = arith.remsi %add3A_146, %rem3A_147 : i32
        %dma_wait3A_149 = arith.constant 0 : i32
        %dma_wait3A_150 = arith.constant 0 : i32
        %dma_wait3A_151 = tpu.memref_slice %arg8[%rem3A_148, %dma_wait3A_149, %dma_wait3A_150] : memref<6x128x128xf32, #tpu.memory_space<vmem>> -> memref<1x128x128xf32, #tpu.memory_space<vmem>>
        %dma_wait3A_152 = tpu.memref_squeeze %dma_wait3A_151 : memref<1x128x128xf32, #tpu.memory_space<vmem>> -> memref<128x128xf32, #tpu.memory_space<vmem>>
        %dma_wait3A_153 = arith.constant 0 : i32
        %dma_wait3A_154 = arith.constant 0 : i32
        %dma_wait3A_155 = tpu.memref_slice %arg5[%dma_wait3A_153, %dma_wait3A_154] : memref<204800x128xf32, #tpu.memory_space<hbm>> -> memref<128x128xf32, #tpu.memory_space<hbm>>
        %dma_wait3A_156 = tpu.memref_slice %arg10[%rem3A_148] : memref<6x!tpu.dma_semaphore, #tpu.memory_space<semaphore_mem>> -> memref<1x!tpu.dma_semaphore, #tpu.memory_space<semaphore_mem>>
        %dma_wait3A_157 = tpu.memref_squeeze %dma_wait3A_156 : memref<1x!tpu.dma_semaphore, #tpu.memory_space<semaphore_mem>> -> memref<!tpu.dma_semaphore, #tpu.memory_space<semaphore_mem>>
        %dma_wait3A_158 = arith.constant 0 : i32
        %dma_wait3A_159 = arith.constant 0 : i32
        %dma_wait3A_160 = tpu.memref_slice %arg5[%dma_wait3A_158, %dma_wait3A_159] : memref<204800x128xf32, #tpu.memory_space<hbm>> -> memref<128x128xf32, #tpu.memory_space<hbm>>
        %dma_wait3A_161 = arith.constant 0 : i32
        %dma_wait3A_162 = arith.constant 0 : i32
        %dma_wait3A_163 = tpu.memref_slice %arg8[%rem3A_148, %dma_wait3A_161, %dma_wait3A_162] : memref<6x128x128xf32, #tpu.memory_space<vmem>> -> memref<1x128x128xf32, #tpu.memory_space<vmem>>
        %dma_wait3A_164 = tpu.memref_squeeze %dma_wait3A_163 : memref<1x128x128xf32, #tpu.memory_space<vmem>> -> memref<128x128xf32, #tpu.memory_space<vmem>>
        tpu.wait_dma2 semaphore(%dma_wait3A_157 : memref<!tpu.dma_semaphore, #tpu.memory_space<semaphore_mem>>) src(%dma_wait3A_164 : memref<128x128xf32, #tpu.memory_space<vmem>>) dst(%dma_wait3A_160 : memref<128x128xf32, #tpu.memory_space<hbm>>)
      } else {
      }
      %add3A_139 = arith.constant 5 : i32
      %add3A_140 = arith.addi %scan3A_103, %add3A_139 : i32
      %lt3A = arith.constant 50 : i32
      %lt3A_141 = arith.cmpi slt, %add3A_140, %lt3A : i32
      %convert_element_type3A_142 = arith.extui %lt3A_141 : i1 to i32
      %cond3A_143 = arith.constant 0 : i32
      %cond3A_144 = arith.cmpi ne, %convert_element_type3A_142, %cond3A_143 : i32
      scf.if %cond3A_144 {
        %add3A_145 = arith.constant 5 : i32
        %add3A_146 = arith.addi %scan3A_103, %add3A_145 : i32
        %rem3A_147 = arith.constant 6 : i32
        %rem3A_148 = arith.remsi %add3A_146, %rem3A_147 : i32
        %dma_start3A_149 = arith.constant 0 : i32
        %dma_start3A_150 = arith.constant 0 : i32
        %dma_start3A_151 = tpu.memref_slice %arg8[%rem3A_148, %dma_start3A_149, %dma_start3A_150] : memref<6x128x128xf32, #tpu.memory_space<vmem>> -> memref<1x128x128xf32, #tpu.memory_space<vmem>>
        %dma_start3A_152 = tpu.memref_squeeze %dma_start3A_151 : memref<1x128x128xf32, #tpu.memory_space<vmem>> -> memref<128x128xf32, #tpu.memory_space<vmem>>
        %dma_start3A_153 = arith.constant 0 : i32
        %dma_start3A_154 = tpu.memref_slice %arg6[%add3A_146, %dma_start3A_153] : memref<50x128xi32, #tpu.memory_space<vmem>> -> memref<1x128xi32, #tpu.memory_space<vmem>>
        %dma_start3A_155 = tpu.memref_squeeze %dma_start3A_154 : memref<1x128xi32, #tpu.memory_space<vmem>> -> memref<128xi32, #tpu.memory_space<vmem>>
        %dma_start3A_156 = arith.constant 0 : i32
        %dma_start3A_157 = arith.constant 0 : i32
        %dma_start3A_158 = tpu.memref_slice %arg2[%dma_start3A_156, %dma_start3A_157] : memref<100000x128xf32, #tpu.memory_space<hbm>> -> memref<100000x128xf32, #tpu.memory_space<hbm>>
        %dma_start3A_159 = tpu.memref_slice %arg9[%rem3A_148] : memref<6x!tpu.dma_semaphore, #tpu.memory_space<semaphore_mem>> -> memref<1x!tpu.dma_semaphore, #tpu.memory_space<semaphore_mem>>
        %dma_start3A_160 = tpu.memref_squeeze %dma_start3A_159 : memref<1x!tpu.dma_semaphore, #tpu.memory_space<semaphore_mem>> -> memref<!tpu.dma_semaphore, #tpu.memory_space<semaphore_mem>>
        tpu.enqueue_indirect_dma source(%dma_start3A_158 : memref<100000x128xf32, #tpu.memory_space<hbm>>) target(%dma_start3A_152 : memref<128x128xf32, #tpu.memory_space<vmem>>) offsets(%dma_start3A_155 : memref<128xi32, #tpu.memory_space<vmem>>) semaphore(%dma_start3A_160 : memref<!tpu.dma_semaphore, #tpu.memory_space<semaphore_mem>>)
      } else {
      }
    }
    %scan3A_85 = arith.constant 50 : i32
    %dma_wait3A = arith.constant 1 : i32
    %dma_wait3A_86 = arith.constant 1 : i32
    %dma_wait3A_87 = arith.constant 0 : i32
    %dma_wait3A_88 = arith.constant 0 : i32
    %dma_wait3A_89 = tpu.memref_slice %arg8[%dma_wait3A, %dma_wait3A_87, %dma_wait3A_88] : memref<6x128x128xf32, #tpu.memory_space<vmem>> -> memref<1x128x128xf32, #tpu.memory_space<vmem>>
    %dma_wait3A_90 = tpu.memref_squeeze %dma_wait3A_89 : memref<1x128x128xf32, #tpu.memory_space<vmem>> -> memref<128x128xf32, #tpu.memory_space<vmem>>
    %dma_wait3A_91 = arith.constant 0 : i32
    %dma_wait3A_92 = arith.constant 0 : i32
    %dma_wait3A_93 = tpu.memref_slice %arg5[%dma_wait3A_91, %dma_wait3A_92] : memref<204800x128xf32, #tpu.memory_space<hbm>> -> memref<128x128xf32, #tpu.memory_space<hbm>>
    %dma_wait3A_94 = tpu.memref_slice %arg10[%dma_wait3A_86] : memref<6x!tpu.dma_semaphore, #tpu.memory_space<semaphore_mem>> -> memref<1x!tpu.dma_semaphore, #tpu.memory_space<semaphore_mem>>
    %dma_wait3A_95 = tpu.memref_squeeze %dma_wait3A_94 : memref<1x!tpu.dma_semaphore, #tpu.memory_space<semaphore_mem>> -> memref<!tpu.dma_semaphore, #tpu.memory_space<semaphore_mem>>
    %dma_wait3A_96 = arith.constant 0 : i32
    %dma_wait3A_97 = arith.constant 0 : i32
    %dma_wait3A_98 = tpu.memref_slice %arg5[%dma_wait3A_96, %dma_wait3A_97] : memref<204800x128xf32, #tpu.memory_space<hbm>> -> memref<128x128xf32, #tpu.memory_space<hbm>>
    %dma_wait3A_99 = arith.constant 0 : i32
    %dma_wait3A_100 = arith.constant 0 : i32
    %dma_wait3A_101 = tpu.memref_slice %arg8[%dma_wait3A, %dma_wait3A_99, %dma_wait3A_100] : memref<6x128x128xf32, #tpu.memory_space<vmem>> -> memref<1x128x128xf32, #tpu.memory_space<vmem>>
    %dma_wait3A_102 = tpu.memref_squeeze %dma_wait3A_101 : memref<1x128x128xf32, #tpu.memory_space<vmem>> -> memref<128x128xf32, #tpu.memory_space<vmem>>
    tpu.wait_dma2 semaphore(%dma_wait3A_95 : memref<!tpu.dma_semaphore, #tpu.memory_space<semaphore_mem>>) src(%dma_wait3A_102 : memref<128x128xf32, #tpu.memory_space<vmem>>) dst(%dma_wait3A_98 : memref<128x128xf32, #tpu.memory_space<hbm>>)
    return
  }
}

#map = affine_map<(d0, d1) -> (0, 0)>
#map1 = affine_map<(d0, d1) -> (0, 0, 0)>
#map2 = affine_map<(d0, d1) -> (0)>
module attributes {stable_mosaic.version = 14 : i64} {
  func.func @k(%arg0: i32, %arg1: i32, %arg2: memref<100000x128xf32, #tpu.memory_space<hbm>>, %arg3: memref<32x50x128xi32, #tpu.memory_space<hbm>>, %arg4: memref<128xf32, #tpu.memory_space<hbm>>, %arg5: memref<204800x128xf32, #tpu.memory_space<hbm>>, %arg6: memref<50x128xi32, #tpu.memory_space<vmem>>, %arg7: memref<128xf32, #tpu.memory_space<vmem>>, %arg8: memref<6x128x128xf32, #tpu.memory_space<vmem>>, %arg9: memref<6x!tpu.dma_semaphore, #tpu.memory_space<semaphore_mem>>, %arg10: memref<6x!tpu.dma_semaphore, #tpu.memory_space<semaphore_mem>>) attributes {dimension_semantics = [#tpu.dimension_semantics<core_parallel>, #tpu.dimension_semantics<subcore_parallel>], iteration_bounds = array<i64: 2, 16>, scalar_prefetch = 0 : i64, scratch_operands = 5 : i64, tpu.core_type = #tpu.core_type<sc_vector_subcore>, window_params = [{transform_indices = #map}, {transform_indices = #map1}, {transform_indices = #map2}, {transform_indices = #map}]} {
    %mul3A = arith.constant 2 : i32
    %mul3A_0 = arith.muli %arg1, %mul3A : i32
    %add3A = arith.addi %mul3A_0, %arg0 : i32
    %mul3A_1 = arith.constant 6400 : i32
    %mul3A_2 = arith.muli %add3A, %mul3A_1 : i32
    "tpu.region"() ({
      %run_scoped3A = tpu.sem_alloc : memref<!tpu.dma_semaphore, #tpu.memory_space<semaphore_mem>>
      %dma_start3A_103 = arith.constant 0 : i32
      %dma_start3A_104 = arith.constant 0 : i32
      %dma_start3A_105 = tpu.memref_slice %arg3[%add3A, %dma_start3A_103, %dma_start3A_104] : memref<32x50x128xi32, #tpu.memory_space<hbm>> -> memref<1x50x128xi32, #tpu.memory_space<hbm>>
      %dma_start3A_106 = tpu.memref_squeeze %dma_start3A_105 : memref<1x50x128xi32, #tpu.memory_space<hbm>> -> memref<50x128xi32, #tpu.memory_space<hbm>>
      %dma_start3A_107 = arith.constant 0 : i32
      %dma_start3A_108 = arith.constant 0 : i32
      %dma_start3A_109 = tpu.memref_slice %arg3[%add3A, %dma_start3A_107, %dma_start3A_108] : memref<32x50x128xi32, #tpu.memory_space<hbm>> -> memref<1x50x128xi32, #tpu.memory_space<hbm>>
      %dma_start3A_110 = tpu.memref_squeeze %dma_start3A_109 : memref<1x50x128xi32, #tpu.memory_space<hbm>> -> memref<50x128xi32, #tpu.memory_space<hbm>>
      tpu.enqueue_dma source(%dma_start3A_110 : memref<50x128xi32, #tpu.memory_space<hbm>>) target(%arg6 : memref<50x128xi32, #tpu.memory_space<vmem>>) target_semaphore(%run_scoped3A : memref<!tpu.dma_semaphore, #tpu.memory_space<semaphore_mem>>)
      %dma_wait3A_111 = arith.constant 0 : i32
      %dma_wait3A_112 = arith.constant 0 : i32
      %dma_wait3A_113 = tpu.memref_slice %arg3[%add3A, %dma_wait3A_111, %dma_wait3A_112] : memref<32x50x128xi32, #tpu.memory_space<hbm>> -> memref<1x50x128xi32, #tpu.memory_space<hbm>>
      %dma_wait3A_114 = tpu.memref_squeeze %dma_wait3A_113 : memref<1x50x128xi32, #tpu.memory_space<hbm>> -> memref<50x128xi32, #tpu.memory_space<hbm>>
      %dma_wait3A_115 = arith.constant 0 : i32
      %dma_wait3A_116 = arith.constant 0 : i32
      %dma_wait3A_117 = tpu.memref_slice %arg3[%add3A, %dma_wait3A_115, %dma_wait3A_116] : memref<32x50x128xi32, #tpu.memory_space<hbm>> -> memref<1x50x128xi32, #tpu.memory_space<hbm>>
      %dma_wait3A_118 = tpu.memref_squeeze %dma_wait3A_117 : memref<1x50x128xi32, #tpu.memory_space<hbm>> -> memref<50x128xi32, #tpu.memory_space<hbm>>
      tpu.wait_dma2 semaphore(%run_scoped3A : memref<!tpu.dma_semaphore, #tpu.memory_space<semaphore_mem>>) src(%dma_wait3A_118 : memref<50x128xi32, #tpu.memory_space<hbm>>) dst(%arg6 : memref<50x128xi32, #tpu.memory_space<vmem>>)
      tpu.yield
    }) : () -> ()
    "tpu.region"() ({
      %run_scoped3A = tpu.sem_alloc : memref<!tpu.dma_semaphore, #tpu.memory_space<semaphore_mem>>
      tpu.enqueue_dma source(%arg4 : memref<128xf32, #tpu.memory_space<hbm>>) target(%arg7 : memref<128xf32, #tpu.memory_space<vmem>>) target_semaphore(%run_scoped3A : memref<!tpu.dma_semaphore, #tpu.memory_space<semaphore_mem>>)
      tpu.wait_dma2 semaphore(%run_scoped3A : memref<!tpu.dma_semaphore, #tpu.memory_space<semaphore_mem>>) src(%arg4 : memref<128xf32, #tpu.memory_space<hbm>>) dst(%arg7 : memref<128xf32, #tpu.memory_space<vmem>>)
      tpu.yield
    }) : () -> ()
    %rem3A = arith.constant 0 : i32
    %rem3A_3 = arith.constant 6 : i32
    %rem3A_4 = arith.remsi %rem3A, %rem3A_3 : i32
    %dma_start3A = arith.constant 0 : i32
    %dma_start3A_5 = arith.constant 0 : i32
    %dma_start3A_6 = arith.constant 0 : i32
    %dma_start3A_7 = tpu.memref_slice %arg8[%rem3A_4, %dma_start3A_5, %dma_start3A_6] : memref<6x128x128xf32, #tpu.memory_space<vmem>> -> memref<1x128x128xf32, #tpu.memory_space<vmem>>
    %dma_start3A_8 = tpu.memref_squeeze %dma_start3A_7 : memref<1x128x128xf32, #tpu.memory_space<vmem>> -> memref<128x128xf32, #tpu.memory_space<vmem>>
    %dma_start3A_9 = arith.constant 0 : i32
    %dma_start3A_10 = tpu.memref_slice %arg6[%dma_start3A, %dma_start3A_9] : memref<50x128xi32, #tpu.memory_space<vmem>> -> memref<1x128xi32, #tpu.memory_space<vmem>>
    %dma_start3A_11 = tpu.memref_squeeze %dma_start3A_10 : memref<1x128xi32, #tpu.memory_space<vmem>> -> memref<128xi32, #tpu.memory_space<vmem>>
    %dma_start3A_12 = arith.constant 0 : i32
    %dma_start3A_13 = arith.constant 0 : i32
    %dma_start3A_14 = tpu.memref_slice %arg2[%dma_start3A_12, %dma_start3A_13] : memref<100000x128xf32, #tpu.memory_space<hbm>> -> memref<100000x128xf32, #tpu.memory_space<hbm>>
    %dma_start3A_15 = tpu.memref_slice %arg9[%rem3A_4] : memref<6x!tpu.dma_semaphore, #tpu.memory_space<semaphore_mem>> -> memref<1x!tpu.dma_semaphore, #tpu.memory_space<semaphore_mem>>
    %dma_start3A_16 = tpu.memref_squeeze %dma_start3A_15 : memref<1x!tpu.dma_semaphore, #tpu.memory_space<semaphore_mem>> -> memref<!tpu.dma_semaphore, #tpu.memory_space<semaphore_mem>>
    tpu.enqueue_indirect_dma source(%dma_start3A_14 : memref<100000x128xf32, #tpu.memory_space<hbm>>) target(%dma_start3A_8 : memref<128x128xf32, #tpu.memory_space<vmem>>) offsets(%dma_start3A_11 : memref<128xi32, #tpu.memory_space<vmem>>) semaphore(%dma_start3A_16 : memref<!tpu.dma_semaphore, #tpu.memory_space<semaphore_mem>>)
    %rem3A_17 = arith.constant 1 : i32
    %rem3A_18 = arith.constant 6 : i32
    %rem3A_19 = arith.remsi %rem3A_17, %rem3A_18 : i32
    %dma_start3A_20 = arith.constant 1 : i32
    %dma_start3A_21 = arith.constant 0 : i32
    %dma_start3A_22 = arith.constant 0 : i32
    %dma_start3A_23 = tpu.memref_slice %arg8[%rem3A_19, %dma_start3A_21, %dma_start3A_22] : memref<6x128x128xf32, #tpu.memory_space<vmem>> -> memref<1x128x128xf32, #tpu.memory_space<vmem>>
    %dma_start3A_24 = tpu.memref_squeeze %dma_start3A_23 : memref<1x128x128xf32, #tpu.memory_space<vmem>> -> memref<128x128xf32, #tpu.memory_space<vmem>>
    %dma_start3A_25 = arith.constant 0 : i32
    %dma_start3A_26 = tpu.memref_slice %arg6[%dma_start3A_20, %dma_start3A_25] : memref<50x128xi32, #tpu.memory_space<vmem>> -> memref<1x128xi32, #tpu.memory_space<vmem>>
    %dma_start3A_27 = tpu.memref_squeeze %dma_start3A_26 : memref<1x128xi32, #tpu.memory_space<vmem>> -> memref<128xi32, #tpu.memory_space<vmem>>
    %dma_start3A_28 = arith.constant 0 : i32
    %dma_start3A_29 = arith.constant 0 : i32
    %dma_start3A_30 = tpu.memref_slice %arg2[%dma_start3A_28, %dma_start3A_29] : memref<100000x128xf32, #tpu.memory_space<hbm>> -> memref<100000x128xf32, #tpu.memory_space<hbm>>
    %dma_start3A_31 = tpu.memref_slice %arg9[%rem3A_19] : memref<6x!tpu.dma_semaphore, #tpu.memory_space<semaphore_mem>> -> memref<1x!tpu.dma_semaphore, #tpu.memory_space<semaphore_mem>>
    %dma_start3A_32 = tpu.memref_squeeze %dma_start3A_31 : memref<1x!tpu.dma_semaphore, #tpu.memory_space<semaphore_mem>> -> memref<!tpu.dma_semaphore, #tpu.memory_space<semaphore_mem>>
    tpu.enqueue_indirect_dma source(%dma_start3A_30 : memref<100000x128xf32, #tpu.memory_space<hbm>>) target(%dma_start3A_24 : memref<128x128xf32, #tpu.memory_space<vmem>>) offsets(%dma_start3A_27 : memref<128xi32, #tpu.memory_space<vmem>>) semaphore(%dma_start3A_32 : memref<!tpu.dma_semaphore, #tpu.memory_space<semaphore_mem>>)
    %rem3A_33 = arith.constant 2 : i32
    %rem3A_34 = arith.constant 6 : i32
    %rem3A_35 = arith.remsi %rem3A_33, %rem3A_34 : i32
    %dma_start3A_36 = arith.constant 2 : i32
    %dma_start3A_37 = arith.constant 0 : i32
    %dma_start3A_38 = arith.constant 0 : i32
    %dma_start3A_39 = tpu.memref_slice %arg8[%rem3A_35, %dma_start3A_37, %dma_start3A_38] : memref<6x128x128xf32, #tpu.memory_space<vmem>> -> memref<1x128x128xf32, #tpu.memory_space<vmem>>
    %dma_start3A_40 = tpu.memref_squeeze %dma_start3A_39 : memref<1x128x128xf32, #tpu.memory_space<vmem>> -> memref<128x128xf32, #tpu.memory_space<vmem>>
    %dma_start3A_41 = arith.constant 0 : i32
    %dma_start3A_42 = tpu.memref_slice %arg6[%dma_start3A_36, %dma_start3A_41] : memref<50x128xi32, #tpu.memory_space<vmem>> -> memref<1x128xi32, #tpu.memory_space<vmem>>
    %dma_start3A_43 = tpu.memref_squeeze %dma_start3A_42 : memref<1x128xi32, #tpu.memory_space<vmem>> -> memref<128xi32, #tpu.memory_space<vmem>>
    %dma_start3A_44 = arith.constant 0 : i32
    %dma_start3A_45 = arith.constant 0 : i32
    %dma_start3A_46 = tpu.memref_slice %arg2[%dma_start3A_44, %dma_start3A_45] : memref<100000x128xf32, #tpu.memory_space<hbm>> -> memref<100000x128xf32, #tpu.memory_space<hbm>>
    %dma_start3A_47 = tpu.memref_slice %arg9[%rem3A_35] : memref<6x!tpu.dma_semaphore, #tpu.memory_space<semaphore_mem>> -> memref<1x!tpu.dma_semaphore, #tpu.memory_space<semaphore_mem>>
    %dma_start3A_48 = tpu.memref_squeeze %dma_start3A_47 : memref<1x!tpu.dma_semaphore, #tpu.memory_space<semaphore_mem>> -> memref<!tpu.dma_semaphore, #tpu.memory_space<semaphore_mem>>
    tpu.enqueue_indirect_dma source(%dma_start3A_46 : memref<100000x128xf32, #tpu.memory_space<hbm>>) target(%dma_start3A_40 : memref<128x128xf32, #tpu.memory_space<vmem>>) offsets(%dma_start3A_43 : memref<128xi32, #tpu.memory_space<vmem>>) semaphore(%dma_start3A_48 : memref<!tpu.dma_semaphore, #tpu.memory_space<semaphore_mem>>)
    %rem3A_49 = arith.constant 3 : i32
    %rem3A_50 = arith.constant 6 : i32
    %rem3A_51 = arith.remsi %rem3A_49, %rem3A_50 : i32
    %dma_start3A_52 = arith.constant 3 : i32
    %dma_start3A_53 = arith.constant 0 : i32
    %dma_start3A_54 = arith.constant 0 : i32
    %dma_start3A_55 = tpu.memref_slice %arg8[%rem3A_51, %dma_start3A_53, %dma_start3A_54] : memref<6x128x128xf32, #tpu.memory_space<vmem>> -> memref<1x128x128xf32, #tpu.memory_space<vmem>>
    %dma_start3A_56 = tpu.memref_squeeze %dma_start3A_55 : memref<1x128x128xf32, #tpu.memory_space<vmem>> -> memref<128x128xf32, #tpu.memory_space<vmem>>
    %dma_start3A_57 = arith.constant 0 : i32
    %dma_start3A_58 = tpu.memref_slice %arg6[%dma_start3A_52, %dma_start3A_57] : memref<50x128xi32, #tpu.memory_space<vmem>> -> memref<1x128xi32, #tpu.memory_space<vmem>>
    %dma_start3A_59 = tpu.memref_squeeze %dma_start3A_58 : memref<1x128xi32, #tpu.memory_space<vmem>> -> memref<128xi32, #tpu.memory_space<vmem>>
    %dma_start3A_60 = arith.constant 0 : i32
    %dma_start3A_61 = arith.constant 0 : i32
    %dma_start3A_62 = tpu.memref_slice %arg2[%dma_start3A_60, %dma_start3A_61] : memref<100000x128xf32, #tpu.memory_space<hbm>> -> memref<100000x128xf32, #tpu.memory_space<hbm>>
    %dma_start3A_63 = tpu.memref_slice %arg9[%rem3A_51] : memref<6x!tpu.dma_semaphore, #tpu.memory_space<semaphore_mem>> -> memref<1x!tpu.dma_semaphore, #tpu.memory_space<semaphore_mem>>
    %dma_start3A_64 = tpu.memref_squeeze %dma_start3A_63 : memref<1x!tpu.dma_semaphore, #tpu.memory_space<semaphore_mem>> -> memref<!tpu.dma_semaphore, #tpu.memory_space<semaphore_mem>>
    tpu.enqueue_indirect_dma source(%dma_start3A_62 : memref<100000x128xf32, #tpu.memory_space<hbm>>) target(%dma_start3A_56 : memref<128x128xf32, #tpu.memory_space<vmem>>) offsets(%dma_start3A_59 : memref<128xi32, #tpu.memory_space<vmem>>) semaphore(%dma_start3A_64 : memref<!tpu.dma_semaphore, #tpu.memory_space<semaphore_mem>>)
    %rem3A_65 = arith.constant 4 : i32
    %rem3A_66 = arith.constant 6 : i32
    %rem3A_67 = arith.remsi %rem3A_65, %rem3A_66 : i32
    %dma_start3A_68 = arith.constant 4 : i32
    %dma_start3A_69 = arith.constant 0 : i32
    %dma_start3A_70 = arith.constant 0 : i32
    %dma_start3A_71 = tpu.memref_slice %arg8[%rem3A_67, %dma_start3A_69, %dma_start3A_70] : memref<6x128x128xf32, #tpu.memory_space<vmem>> -> memref<1x128x128xf32, #tpu.memory_space<vmem>>
    %dma_start3A_72 = tpu.memref_squeeze %dma_start3A_71 : memref<1x128x128xf32, #tpu.memory_space<vmem>> -> memref<128x128xf32, #tpu.memory_space<vmem>>
    %dma_start3A_73 = arith.constant 0 : i32
    %dma_start3A_74 = tpu.memref_slice %arg6[%dma_start3A_68, %dma_start3A_73] : memref<50x128xi32, #tpu.memory_space<vmem>> -> memref<1x128xi32, #tpu.memory_space<vmem>>
    %dma_start3A_75 = tpu.memref_squeeze %dma_start3A_74 : memref<1x128xi32, #tpu.memory_space<vmem>> -> memref<128xi32, #tpu.memory_space<vmem>>
    %dma_start3A_76 = arith.constant 0 : i32
    %dma_start3A_77 = arith.constant 0 : i32
    %dma_start3A_78 = tpu.memref_slice %arg2[%dma_start3A_76, %dma_start3A_77] : memref<100000x128xf32, #tpu.memory_space<hbm>> -> memref<100000x128xf32, #tpu.memory_space<hbm>>
    %dma_start3A_79 = tpu.memref_slice %arg9[%rem3A_67] : memref<6x!tpu.dma_semaphore, #tpu.memory_space<semaphore_mem>> -> memref<1x!tpu.dma_semaphore, #tpu.memory_space<semaphore_mem>>
    %dma_start3A_80 = tpu.memref_squeeze %dma_start3A_79 : memref<1x!tpu.dma_semaphore, #tpu.memory_space<semaphore_mem>> -> memref<!tpu.dma_semaphore, #tpu.memory_space<semaphore_mem>>
    tpu.enqueue_indirect_dma source(%dma_start3A_78 : memref<100000x128xf32, #tpu.memory_space<hbm>>) target(%dma_start3A_72 : memref<128x128xf32, #tpu.memory_space<vmem>>) offsets(%dma_start3A_75 : memref<128xi32, #tpu.memory_space<vmem>>) semaphore(%dma_start3A_80 : memref<!tpu.dma_semaphore, #tpu.memory_space<semaphore_mem>>)
    %scan3A = arith.constant 0 : i32
    %scan3A_81 = arith.constant 0 : i32
    %scan3A_82 = arith.constant 50 : i32
    %scan3A_83 = arith.addi %scan3A_81, %scan3A_82 : i32
    %scan3A_84 = arith.constant 1 : i32
    scf.for %scan3A_103 = %scan3A_81 to %scan3A_83 step %scan3A_84  : i32 {
      %rem3A_104 = arith.constant 6 : i32
      %rem3A_105 = arith.remsi %scan3A_103, %rem3A_104 : i32
      %dma_wait3A_106 = arith.constant 0 : i32
      %dma_wait3A_107 = arith.constant 0 : i32
      %dma_wait3A_108 = tpu.memref_slice %arg8[%rem3A_105, %dma_wait3A_106, %dma_wait3A_107] : memref<6x128x128xf32, #tpu.memory_space<vmem>> -> memref<1x128x128xf32, #tpu.memory_space<vmem>>
      %dma_wait3A_109 = tpu.memref_squeeze %dma_wait3A_108 : memref<1x128x128xf32, #tpu.memory_space<vmem>> -> memref<128x128xf32, #tpu.memory_space<vmem>>
      %dma_wait3A_110 = arith.constant 0 : i32
      %dma_wait3A_111 = tpu.memref_slice %arg6[%scan3A_103, %dma_wait3A_110] : memref<50x128xi32, #tpu.memory_space<vmem>> -> memref<1x128xi32, #tpu.memory_space<vmem>>
      %dma_wait3A_112 = tpu.memref_squeeze %dma_wait3A_111 : memref<1x128xi32, #tpu.memory_space<vmem>> -> memref<128xi32, #tpu.memory_space<vmem>>
      %dma_wait3A_113 = arith.constant 0 : i32
      %dma_wait3A_114 = arith.constant 0 : i32
      %dma_wait3A_115 = tpu.memref_slice %arg2[%dma_wait3A_113, %dma_wait3A_114] : memref<100000x128xf32, #tpu.memory_space<hbm>> -> memref<100000x128xf32, #tpu.memory_space<hbm>>
      %dma_wait3A_116 = tpu.memref_slice %arg9[%rem3A_105] : memref<6x!tpu.dma_semaphore, #tpu.memory_space<semaphore_mem>> -> memref<1x!tpu.dma_semaphore, #tpu.memory_space<semaphore_mem>>
      %dma_wait3A_117 = tpu.memref_squeeze %dma_wait3A_116 : memref<1x!tpu.dma_semaphore, #tpu.memory_space<semaphore_mem>> -> memref<!tpu.dma_semaphore, #tpu.memory_space<semaphore_mem>>
      tpu.wait_indirect_dma semaphore(%dma_wait3A_117 : memref<!tpu.dma_semaphore, #tpu.memory_space<semaphore_mem>>) src(%dma_wait3A_115 : memref<100000x128xf32, #tpu.memory_space<hbm>>) dst(%dma_wait3A_109 : memref<128x128xf32, #tpu.memory_space<vmem>>)
      %parallel_loop3A = arith.constant 0 : i32
      %parallel_loop3A_118 = arith.constant 128 : i32
      %parallel_loop3A_119 = arith.constant 1 : i32
      scf.for %parallel_loop3A_145 = %parallel_loop3A to %parallel_loop3A_118 step %parallel_loop3A_119  : i32 {
        %parallel_loop3A_146 = arith.constant 0 : i32
        %parallel_loop3A_147 = arith.constant 0 : i32
        %parallel_loop3A_148 = tpu.memref_slice %arg8[%rem3A_105, %parallel_loop3A_146, %parallel_loop3A_147] : memref<6x128x128xf32, #tpu.memory_space<vmem>> -> memref<1x128x128xf32, #tpu.memory_space<vmem>>
        %parallel_loop3A_149 = tpu.memref_squeeze %parallel_loop3A_148 : memref<1x128x128xf32, #tpu.memory_space<vmem>> -> memref<128x128xf32, #tpu.memory_space<vmem>>
        %parallel_loop3A_150 = arith.index_cast %parallel_loop3A_145 : i32 to index
        %parallel_loop3A_151 = arith.constant 0 : index
        %parallel_loop3A_152 = tpu.vector_load %parallel_loop3A_149[%parallel_loop3A_150, %parallel_loop3A_151] {strides = array<i32>} : memref<128x128xf32, #tpu.memory_space<vmem>>, vector<16xf32>,
        %parallel_loop3A_153 = arith.mulf %parallel_loop3A_152, %parallel_loop3A_152 : vector<16xf32>
        %parallel_loop3A_154 = arith.constant 0 : i32
        %parallel_loop3A_155 = arith.constant 0 : i32
        %parallel_loop3A_156 = tpu.memref_slice %arg8[%rem3A_105, %parallel_loop3A_154, %parallel_loop3A_155] : memref<6x128x128xf32, #tpu.memory_space<vmem>> -> memref<1x128x128xf32, #tpu.memory_space<vmem>>
        %parallel_loop3A_157 = tpu.memref_squeeze %parallel_loop3A_156 : memref<1x128x128xf32, #tpu.memory_space<vmem>> -> memref<128x128xf32, #tpu.memory_space<vmem>>
        %parallel_loop3A_158 = arith.index_cast %parallel_loop3A_145 : i32 to index
        %parallel_loop3A_159 = arith.constant 16 : index
        %parallel_loop3A_160 = tpu.vector_load %parallel_loop3A_157[%parallel_loop3A_158, %parallel_loop3A_159] {strides = array<i32>} : memref<128x128xf32, #tpu.memory_space<vmem>>, vector<16xf32>,
        %parallel_loop3A_161 = arith.mulf %parallel_loop3A_160, %parallel_loop3A_160 : vector<16xf32>
        %parallel_loop3A_162 = arith.addf %parallel_loop3A_153, %parallel_loop3A_161 : vector<16xf32>
        %parallel_loop3A_163 = arith.constant 0 : i32
        %parallel_loop3A_164 = arith.constant 0 : i32
        %parallel_loop3A_165 = tpu.memref_slice %arg8[%rem3A_105, %parallel_loop3A_163, %parallel_loop3A_164] : memref<6x128x128xf32, #tpu.memory_space<vmem>> -> memref<1x128x128xf32, #tpu.memory_space<vmem>>
        %parallel_loop3A_166 = tpu.memref_squeeze %parallel_loop3A_165 : memref<1x128x128xf32, #tpu.memory_space<vmem>> -> memref<128x128xf32, #tpu.memory_space<vmem>>
        %parallel_loop3A_167 = arith.index_cast %parallel_loop3A_145 : i32 to index
        %parallel_loop3A_168 = arith.constant 32 : index
        %parallel_loop3A_169 = tpu.vector_load %parallel_loop3A_166[%parallel_loop3A_167, %parallel_loop3A_168] {strides = array<i32>} : memref<128x128xf32, #tpu.memory_space<vmem>>, vector<16xf32>,
        %parallel_loop3A_170 = arith.mulf %parallel_loop3A_169, %parallel_loop3A_169 : vector<16xf32>
        %parallel_loop3A_171 = arith.addf %parallel_loop3A_162, %parallel_loop3A_170 : vector<16xf32>
        %parallel_loop3A_172 = arith.constant 0 : i32
        %parallel_loop3A_173 = arith.constant 0 : i32
        %parallel_loop3A_174 = tpu.memref_slice %arg8[%rem3A_105, %parallel_loop3A_172, %parallel_loop3A_173] : memref<6x128x128xf32, #tpu.memory_space<vmem>> -> memref<1x128x128xf32, #tpu.memory_space<vmem>>
        %parallel_loop3A_175 = tpu.memref_squeeze %parallel_loop3A_174 : memref<1x128x128xf32, #tpu.memory_space<vmem>> -> memref<128x128xf32, #tpu.memory_space<vmem>>
        %parallel_loop3A_176 = arith.index_cast %parallel_loop3A_145 : i32 to index
        %parallel_loop3A_177 = arith.constant 48 : index
        %parallel_loop3A_178 = tpu.vector_load %parallel_loop3A_175[%parallel_loop3A_176, %parallel_loop3A_177] {strides = array<i32>} : memref<128x128xf32, #tpu.memory_space<vmem>>, vector<16xf32>,
        %parallel_loop3A_179 = arith.mulf %parallel_loop3A_178, %parallel_loop3A_178 : vector<16xf32>
        %parallel_loop3A_180 = arith.addf %parallel_loop3A_171, %parallel_loop3A_179 : vector<16xf32>
        %parallel_loop3A_181 = arith.constant 0 : i32
        %parallel_loop3A_182 = arith.constant 0 : i32
        %parallel_loop3A_183 = tpu.memref_slice %arg8[%rem3A_105, %parallel_loop3A_181, %parallel_loop3A_182] : memref<6x128x128xf32, #tpu.memory_space<vmem>> -> memref<1x128x128xf32, #tpu.memory_space<vmem>>
        %parallel_loop3A_184 = tpu.memref_squeeze %parallel_loop3A_183 : memref<1x128x128xf32, #tpu.memory_space<vmem>> -> memref<128x128xf32, #tpu.memory_space<vmem>>
        %parallel_loop3A_185 = arith.index_cast %parallel_loop3A_145 : i32 to index
        %parallel_loop3A_186 = arith.constant 64 : index
        %parallel_loop3A_187 = tpu.vector_load %parallel_loop3A_184[%parallel_loop3A_185, %parallel_loop3A_186] {strides = array<i32>} : memref<128x128xf32, #tpu.memory_space<vmem>>, vector<16xf32>,
        %parallel_loop3A_188 = arith.mulf %parallel_loop3A_187, %parallel_loop3A_187 : vector<16xf32>
        %parallel_loop3A_189 = arith.addf %parallel_loop3A_180, %parallel_loop3A_188 : vector<16xf32>
        %parallel_loop3A_190 = arith.constant 0 : i32
        %parallel_loop3A_191 = arith.constant 0 : i32
        %parallel_loop3A_192 = tpu.memref_slice %arg8[%rem3A_105, %parallel_loop3A_190, %parallel_loop3A_191] : memref<6x128x128xf32, #tpu.memory_space<vmem>> -> memref<1x128x128xf32, #tpu.memory_space<vmem>>
        %parallel_loop3A_193 = tpu.memref_squeeze %parallel_loop3A_192 : memref<1x128x128xf32, #tpu.memory_space<vmem>> -> memref<128x128xf32, #tpu.memory_space<vmem>>
        %parallel_loop3A_194 = arith.index_cast %parallel_loop3A_145 : i32 to index
        %parallel_loop3A_195 = arith.constant 80 : index
        %parallel_loop3A_196 = tpu.vector_load %parallel_loop3A_193[%parallel_loop3A_194, %parallel_loop3A_195] {strides = array<i32>} : memref<128x128xf32, #tpu.memory_space<vmem>>, vector<16xf32>,
        %parallel_loop3A_197 = arith.mulf %parallel_loop3A_196, %parallel_loop3A_196 : vector<16xf32>
        %parallel_loop3A_198 = arith.addf %parallel_loop3A_189, %parallel_loop3A_197 : vector<16xf32>
        %parallel_loop3A_199 = arith.constant 0 : i32
        %parallel_loop3A_200 = arith.constant 0 : i32
        %parallel_loop3A_201 = tpu.memref_slice %arg8[%rem3A_105, %parallel_loop3A_199, %parallel_loop3A_200] : memref<6x128x128xf32, #tpu.memory_space<vmem>> -> memref<1x128x128xf32, #tpu.memory_space<vmem>>
        %parallel_loop3A_202 = tpu.memref_squeeze %parallel_loop3A_201 : memref<1x128x128xf32, #tpu.memory_space<vmem>> -> memref<128x128xf32, #tpu.memory_space<vmem>>
        %parallel_loop3A_203 = arith.index_cast %parallel_loop3A_145 : i32 to index
        %parallel_loop3A_204 = arith.constant 96 : index
        %parallel_loop3A_205 = tpu.vector_load %parallel_loop3A_202[%parallel_loop3A_203, %parallel_loop3A_204] {strides = array<i32>} : memref<128x128xf32, #tpu.memory_space<vmem>>, vector<16xf32>,
        %parallel_loop3A_206 = arith.mulf %parallel_loop3A_205, %parallel_loop3A_205 : vector<16xf32>
        %parallel_loop3A_207 = arith.addf %parallel_loop3A_198, %parallel_loop3A_206 : vector<16xf32>
        %parallel_loop3A_208 = arith.constant 0 : i32
        %parallel_loop3A_209 = arith.constant 0 : i32
        %parallel_loop3A_210 = tpu.memref_slice %arg8[%rem3A_105, %parallel_loop3A_208, %parallel_loop3A_209] : memref<6x128x128xf32, #tpu.memory_space<vmem>> -> memref<1x128x128xf32, #tpu.memory_space<vmem>>
        %parallel_loop3A_211 = tpu.memref_squeeze %parallel_loop3A_210 : memref<1x128x128xf32, #tpu.memory_space<vmem>> -> memref<128x128xf32, #tpu.memory_space<vmem>>
        %parallel_loop3A_212 = arith.index_cast %parallel_loop3A_145 : i32 to index
        %parallel_loop3A_213 = arith.constant 112 : index
        %parallel_loop3A_214 = tpu.vector_load %parallel_loop3A_211[%parallel_loop3A_212, %parallel_loop3A_213] {strides = array<i32>} : memref<128x128xf32, #tpu.memory_space<vmem>>, vector<16xf32>,
        %parallel_loop3A_215 = arith.mulf %parallel_loop3A_214, %parallel_loop3A_214 : vector<16xf32>
        %parallel_loop3A_216 = arith.addf %parallel_loop3A_207, %parallel_loop3A_215 : vector<16xf32>
        %parallel_loop3A_217 = arith.constant true
        %parallel_loop3A_218 = vector.broadcast %parallel_loop3A_217 : i1 to vector<16xi1>
        %parallel_loop3A_219 = tpu.scan <sum>, %parallel_loop3A_216 masked %parallel_loop3A_218 : vector<16xf32>, vector<16xi1> -> vector<16xf32>
        %parallel_loop3A_220 = vector.extract %parallel_loop3A_219[15] : f32 from vector<16xf32>
        %parallel_loop3A_221 = arith.constant 7.812500e-03 : f32
        %parallel_loop3A_222 = arith.mulf %parallel_loop3A_220, %parallel_loop3A_221 : f32
        %parallel_loop3A_223 = arith.constant 9.99999997E-7 : f32
        %parallel_loop3A_224 = arith.addf %parallel_loop3A_222, %parallel_loop3A_223 : f32
        %parallel_loop3A_225 = arith.bitcast %parallel_loop3A_224 : f32 to i32
        %parallel_loop3A_226 = arith.constant 1 : i32
        %parallel_loop3A_227 = arith.shrui %parallel_loop3A_225, %parallel_loop3A_226 : i32
        %parallel_loop3A_228 = arith.constant 1597463007 : i32
        %parallel_loop3A_229 = arith.subi %parallel_loop3A_228, %parallel_loop3A_227 : i32
        %parallel_loop3A_230 = arith.bitcast %parallel_loop3A_229 : i32 to f32
        %parallel_loop3A_231 = arith.constant 5.000000e-01 : f32
        %parallel_loop3A_232 = arith.mulf %parallel_loop3A_224, %parallel_loop3A_231 : f32
        %parallel_loop3A_233 = arith.mulf %parallel_loop3A_232, %parallel_loop3A_230 : f32
        %parallel_loop3A_234 = arith.mulf %parallel_loop3A_233, %parallel_loop3A_230 : f32
        %parallel_loop3A_235 = arith.constant 1.500000e+00 : f32
        %parallel_loop3A_236 = arith.subf %parallel_loop3A_235, %parallel_loop3A_234 : f32
        %parallel_loop3A_237 = arith.mulf %parallel_loop3A_230, %parallel_loop3A_236 : f32
        %parallel_loop3A_238 = arith.mulf %parallel_loop3A_232, %parallel_loop3A_237 : f32
        %parallel_loop3A_239 = arith.mulf %parallel_loop3A_238, %parallel_loop3A_237 : f32
        %parallel_loop3A_240 = arith.constant 1.500000e+00 : f32
        %parallel_loop3A_241 = arith.subf %parallel_loop3A_240, %parallel_loop3A_239 : f32
        %parallel_loop3A_242 = arith.mulf %parallel_loop3A_237, %parallel_loop3A_241 : f32
        %parallel_loop3A_243 = vector.broadcast %parallel_loop3A_242 : f32 to vector<16xf32>
        %parallel_loop3A_244 = arith.mulf %parallel_loop3A_152, %parallel_loop3A_243 : vector<16xf32>
        %parallel_loop3A_245 = arith.constant 0 : i32
        %parallel_loop3A_246 = arith.constant 0 : i32
        %parallel_loop3A_247 = tpu.memref_slice %arg8[%rem3A_105, %parallel_loop3A_245, %parallel_loop3A_246] : memref<6x128x128xf32, #tpu.memory_space<vmem>> -> memref<1x128x128xf32, #tpu.memory_space<vmem>>
        %parallel_loop3A_248 = tpu.memref_squeeze %parallel_loop3A_247 : memref<1x128x128xf32, #tpu.memory_space<vmem>> -> memref<128x128xf32, #tpu.memory_space<vmem>>
        %parallel_loop3A_249 = arith.index_cast %parallel_loop3A_145 : i32 to index
        %parallel_loop3A_250 = arith.constant 0 : index
        %parallel_loop3A_251 = tpu.vector_load %parallel_loop3A_248[%parallel_loop3A_249, %parallel_loop3A_250] {strides = array<i32>} : memref<128x128xf32, #tpu.memory_space<vmem>>, vector<16xf32>,
        tpu.vector_store %parallel_loop3A_248[%parallel_loop3A_249, %parallel_loop3A_250], %parallel_loop3A_244 {strides = array<i32>} : memref<128x128xf32, #tpu.memory_space<vmem>>, vector<16xf32>,
        %parallel_loop3A_252 = arith.mulf %parallel_loop3A_160, %parallel_loop3A_243 : vector<16xf32>
        %parallel_loop3A_253 = arith.constant 0 : i32
        %parallel_loop3A_254 = arith.constant 0 : i32
        %parallel_loop3A_255 = tpu.memref_slice %arg8[%rem3A_105, %parallel_loop3A_253, %parallel_loop3A_254] : memref<6x128x128xf32, #tpu.memory_space<vmem>> -> memref<1x128x128xf32, #tpu.memory_space<vmem>>
        %parallel_loop3A_256 = tpu.memref_squeeze %parallel_loop3A_255 : memref<1x128x128xf32, #tpu.memory_space<vmem>> -> memref<128x128xf32, #tpu.memory_space<vmem>>
        %parallel_loop3A_257 = arith.index_cast %parallel_loop3A_145 : i32 to index
        %parallel_loop3A_258 = arith.constant 16 : index
        %parallel_loop3A_259 = tpu.vector_load %parallel_loop3A_256[%parallel_loop3A_257, %parallel_loop3A_258] {strides = array<i32>} : memref<128x128xf32, #tpu.memory_space<vmem>>, vector<16xf32>,
        tpu.vector_store %parallel_loop3A_256[%parallel_loop3A_257, %parallel_loop3A_258], %parallel_loop3A_252 {strides = array<i32>} : memref<128x128xf32, #tpu.memory_space<vmem>>, vector<16xf32>,
        %parallel_loop3A_260 = arith.mulf %parallel_loop3A_169, %parallel_loop3A_243 : vector<16xf32>
        %parallel_loop3A_261 = arith.constant 0 : i32
        %parallel_loop3A_262 = arith.constant 0 : i32
        %parallel_loop3A_263 = tpu.memref_slice %arg8[%rem3A_105, %parallel_loop3A_261, %parallel_loop3A_262] : memref<6x128x128xf32, #tpu.memory_space<vmem>> -> memref<1x128x128xf32, #tpu.memory_space<vmem>>
        %parallel_loop3A_264 = tpu.memref_squeeze %parallel_loop3A_263 : memref<1x128x128xf32, #tpu.memory_space<vmem>> -> memref<128x128xf32, #tpu.memory_space<vmem>>
        %parallel_loop3A_265 = arith.index_cast %parallel_loop3A_145 : i32 to index
        %parallel_loop3A_266 = arith.constant 32 : index
        %parallel_loop3A_267 = tpu.vector_load %parallel_loop3A_264[%parallel_loop3A_265, %parallel_loop3A_266] {strides = array<i32>} : memref<128x128xf32, #tpu.memory_space<vmem>>, vector<16xf32>,
        tpu.vector_store %parallel_loop3A_264[%parallel_loop3A_265, %parallel_loop3A_266], %parallel_loop3A_260 {strides = array<i32>} : memref<128x128xf32, #tpu.memory_space<vmem>>, vector<16xf32>,
        %parallel_loop3A_268 = arith.mulf %parallel_loop3A_178, %parallel_loop3A_243 : vector<16xf32>
        %parallel_loop3A_269 = arith.constant 0 : i32
        %parallel_loop3A_270 = arith.constant 0 : i32
        %parallel_loop3A_271 = tpu.memref_slice %arg8[%rem3A_105, %parallel_loop3A_269, %parallel_loop3A_270] : memref<6x128x128xf32, #tpu.memory_space<vmem>> -> memref<1x128x128xf32, #tpu.memory_space<vmem>>
        %parallel_loop3A_272 = tpu.memref_squeeze %parallel_loop3A_271 : memref<1x128x128xf32, #tpu.memory_space<vmem>> -> memref<128x128xf32, #tpu.memory_space<vmem>>
        %parallel_loop3A_273 = arith.index_cast %parallel_loop3A_145 : i32 to index
        %parallel_loop3A_274 = arith.constant 48 : index
        %parallel_loop3A_275 = tpu.vector_load %parallel_loop3A_272[%parallel_loop3A_273, %parallel_loop3A_274] {strides = array<i32>} : memref<128x128xf32, #tpu.memory_space<vmem>>, vector<16xf32>,
        tpu.vector_store %parallel_loop3A_272[%parallel_loop3A_273, %parallel_loop3A_274], %parallel_loop3A_268 {strides = array<i32>} : memref<128x128xf32, #tpu.memory_space<vmem>>, vector<16xf32>,
        %parallel_loop3A_276 = arith.mulf %parallel_loop3A_187, %parallel_loop3A_243 : vector<16xf32>
        %parallel_loop3A_277 = arith.constant 0 : i32
        %parallel_loop3A_278 = arith.constant 0 : i32
        %parallel_loop3A_279 = tpu.memref_slice %arg8[%rem3A_105, %parallel_loop3A_277, %parallel_loop3A_278] : memref<6x128x128xf32, #tpu.memory_space<vmem>> -> memref<1x128x128xf32, #tpu.memory_space<vmem>>
        %parallel_loop3A_280 = tpu.memref_squeeze %parallel_loop3A_279 : memref<1x128x128xf32, #tpu.memory_space<vmem>> -> memref<128x128xf32, #tpu.memory_space<vmem>>
        %parallel_loop3A_281 = arith.index_cast %parallel_loop3A_145 : i32 to index
        %parallel_loop3A_282 = arith.constant 64 : index
        %parallel_loop3A_283 = tpu.vector_load %parallel_loop3A_280[%parallel_loop3A_281, %parallel_loop3A_282] {strides = array<i32>} : memref<128x128xf32, #tpu.memory_space<vmem>>, vector<16xf32>,
        tpu.vector_store %parallel_loop3A_280[%parallel_loop3A_281, %parallel_loop3A_282], %parallel_loop3A_276 {strides = array<i32>} : memref<128x128xf32, #tpu.memory_space<vmem>>, vector<16xf32>,
        %parallel_loop3A_284 = arith.mulf %parallel_loop3A_196, %parallel_loop3A_243 : vector<16xf32>
        %parallel_loop3A_285 = arith.constant 0 : i32
        %parallel_loop3A_286 = arith.constant 0 : i32
        %parallel_loop3A_287 = tpu.memref_slice %arg8[%rem3A_105, %parallel_loop3A_285, %parallel_loop3A_286] : memref<6x128x128xf32, #tpu.memory_space<vmem>> -> memref<1x128x128xf32, #tpu.memory_space<vmem>>
        %parallel_loop3A_288 = tpu.memref_squeeze %parallel_loop3A_287 : memref<1x128x128xf32, #tpu.memory_space<vmem>> -> memref<128x128xf32, #tpu.memory_space<vmem>>
        %parallel_loop3A_289 = arith.index_cast %parallel_loop3A_145 : i32 to index
        %parallel_loop3A_290 = arith.constant 80 : index
        %parallel_loop3A_291 = tpu.vector_load %parallel_loop3A_288[%parallel_loop3A_289, %parallel_loop3A_290] {strides = array<i32>} : memref<128x128xf32, #tpu.memory_space<vmem>>, vector<16xf32>,
        tpu.vector_store %parallel_loop3A_288[%parallel_loop3A_289, %parallel_loop3A_290], %parallel_loop3A_284 {strides = array<i32>} : memref<128x128xf32, #tpu.memory_space<vmem>>, vector<16xf32>,
        %parallel_loop3A_292 = arith.mulf %parallel_loop3A_205, %parallel_loop3A_243 : vector<16xf32>
        %parallel_loop3A_293 = arith.constant 0 : i32
        %parallel_loop3A_294 = arith.constant 0 : i32
        %parallel_loop3A_295 = tpu.memref_slice %arg8[%rem3A_105, %parallel_loop3A_293, %parallel_loop3A_294] : memref<6x128x128xf32, #tpu.memory_space<vmem>> -> memref<1x128x128xf32, #tpu.memory_space<vmem>>
        %parallel_loop3A_296 = tpu.memref_squeeze %parallel_loop3A_295 : memref<1x128x128xf32, #tpu.memory_space<vmem>> -> memref<128x128xf32, #tpu.memory_space<vmem>>
        %parallel_loop3A_297 = arith.index_cast %parallel_loop3A_145 : i32 to index
        %parallel_loop3A_298 = arith.constant 96 : index
        %parallel_loop3A_299 = tpu.vector_load %parallel_loop3A_296[%parallel_loop3A_297, %parallel_loop3A_298] {strides = array<i32>} : memref<128x128xf32, #tpu.memory_space<vmem>>, vector<16xf32>,
        tpu.vector_store %parallel_loop3A_296[%parallel_loop3A_297, %parallel_loop3A_298], %parallel_loop3A_292 {strides = array<i32>} : memref<128x128xf32, #tpu.memory_space<vmem>>, vector<16xf32>,
        %parallel_loop3A_300 = arith.mulf %parallel_loop3A_214, %parallel_loop3A_243 : vector<16xf32>
        %parallel_loop3A_301 = arith.constant 0 : i32
        %parallel_loop3A_302 = arith.constant 0 : i32
        %parallel_loop3A_303 = tpu.memref_slice %arg8[%rem3A_105, %parallel_loop3A_301, %parallel_loop3A_302] : memref<6x128x128xf32, #tpu.memory_space<vmem>> -> memref<1x128x128xf32, #tpu.memory_space<vmem>>
        %parallel_loop3A_304 = tpu.memref_squeeze %parallel_loop3A_303 : memref<1x128x128xf32, #tpu.memory_space<vmem>> -> memref<128x128xf32, #tpu.memory_space<vmem>>
        %parallel_loop3A_305 = arith.index_cast %parallel_loop3A_145 : i32 to index
        %parallel_loop3A_306 = arith.constant 112 : index
        %parallel_loop3A_307 = tpu.vector_load %parallel_loop3A_304[%parallel_loop3A_305, %parallel_loop3A_306] {strides = array<i32>} : memref<128x128xf32, #tpu.memory_space<vmem>>, vector<16xf32>,
        tpu.vector_store %parallel_loop3A_304[%parallel_loop3A_305, %parallel_loop3A_306], %parallel_loop3A_300 {strides = array<i32>} : memref<128x128xf32, #tpu.memory_space<vmem>>, vector<16xf32>,
      } {sc.loop_unroll_factor = 1 : i64, sc.parallel_access}
      %mul3A_120 = arith.constant 128 : i32
      %mul3A_121 = arith.muli %scan3A_103, %mul3A_120 : i32
      %add3A_122 = arith.addi %mul3A_2, %mul3A_121 : i32
      %dma_start3A_123 = arith.constant 0 : i32
      %dma_start3A_124 = arith.constant 0 : i32
      %dma_start3A_125 = tpu.memref_slice %arg8[%rem3A_105, %dma_start3A_123, %dma_start3A_124] : memref<6x128x128xf32, #tpu.memory_space<vmem>> -> memref<1x128x128xf32, #tpu.memory_space<vmem>>
      %dma_start3A_126 = tpu.memref_squeeze %dma_start3A_125 : memref<1x128x128xf32, #tpu.memory_space<vmem>> -> memref<128x128xf32, #tpu.memory_space<vmem>>
      %dma_start3A_127 = arith.constant 0 : i32
      %dma_start3A_128 = tpu.memref_slice %arg5[%add3A_122, %dma_start3A_127] : memref<204800x128xf32, #tpu.memory_space<hbm>> -> memref<128x128xf32, #tpu.memory_space<hbm>>
      %dma_start3A_129 = tpu.memref_slice %arg10[%rem3A_105] : memref<6x!tpu.dma_semaphore, #tpu.memory_space<semaphore_mem>> -> memref<1x!tpu.dma_semaphore, #tpu.memory_space<semaphore_mem>>
      %dma_start3A_130 = tpu.memref_squeeze %dma_start3A_129 : memref<1x!tpu.dma_semaphore, #tpu.memory_space<semaphore_mem>> -> memref<!tpu.dma_semaphore, #tpu.memory_space<semaphore_mem>>
      %dma_start3A_131 = arith.constant 0 : i32
      %dma_start3A_132 = tpu.memref_slice %arg5[%add3A_122, %dma_start3A_131] : memref<204800x128xf32, #tpu.memory_space<hbm>> -> memref<128x128xf32, #tpu.memory_space<hbm>>
      %dma_start3A_133 = arith.constant 0 : i32
      %dma_start3A_134 = arith.constant 0 : i32
      %dma_start3A_135 = tpu.memref_slice %arg8[%rem3A_105, %dma_start3A_133, %dma_start3A_134] : memref<6x128x128xf32, #tpu.memory_space<vmem>> -> memref<1x128x128xf32, #tpu.memory_space<vmem>>
      %dma_start3A_136 = tpu.memref_squeeze %dma_start3A_135 : memref<1x128x128xf32, #tpu.memory_space<vmem>> -> memref<128x128xf32, #tpu.memory_space<vmem>>
      tpu.enqueue_dma source(%dma_start3A_136 : memref<128x128xf32, #tpu.memory_space<vmem>>) target(%dma_start3A_132 : memref<128x128xf32, #tpu.memory_space<hbm>>) target_semaphore(%dma_start3A_130 : memref<!tpu.dma_semaphore, #tpu.memory_space<semaphore_mem>>)
      %ge3A = arith.constant 1 : i32
      %ge3A_137 = arith.cmpi sge, %scan3A_103, %ge3A : i32
      %convert_element_type3A = arith.extui %ge3A_137 : i1 to i32
      %cond3A = arith.constant 0 : i32
      %cond3A_138 = arith.cmpi ne, %convert_element_type3A, %cond3A : i32
      scf.if %cond3A_138 {
        %add3A_145 = arith.constant 5 : i32
        %add3A_146 = arith.addi %scan3A_103, %add3A_145 : i32
        %rem3A_147 = arith.constant 6 : i32
        %rem3A_148 = arith.remsi %add3A_146, %rem3A_147 : i32
        %dma_wait3A_149 = arith.constant 0 : i32
        %dma_wait3A_150 = arith.constant 0 : i32
        %dma_wait3A_151 = tpu.memref_slice %arg8[%rem3A_148, %dma_wait3A_149, %dma_wait3A_150] : memref<6x128x128xf32, #tpu.memory_space<vmem>> -> memref<1x128x128xf32, #tpu.memory_space<vmem>>
        %dma_wait3A_152 = tpu.memref_squeeze %dma_wait3A_151 : memref<1x128x128xf32, #tpu.memory_space<vmem>> -> memref<128x128xf32, #tpu.memory_space<vmem>>
        %dma_wait3A_153 = arith.constant 0 : i32
        %dma_wait3A_154 = arith.constant 0 : i32
        %dma_wait3A_155 = tpu.memref_slice %arg5[%dma_wait3A_153, %dma_wait3A_154] : memref<204800x128xf32, #tpu.memory_space<hbm>> -> memref<128x128xf32, #tpu.memory_space<hbm>>
        %dma_wait3A_156 = tpu.memref_slice %arg10[%rem3A_148] : memref<6x!tpu.dma_semaphore, #tpu.memory_space<semaphore_mem>> -> memref<1x!tpu.dma_semaphore, #tpu.memory_space<semaphore_mem>>
        %dma_wait3A_157 = tpu.memref_squeeze %dma_wait3A_156 : memref<1x!tpu.dma_semaphore, #tpu.memory_space<semaphore_mem>> -> memref<!tpu.dma_semaphore, #tpu.memory_space<semaphore_mem>>
        %dma_wait3A_158 = arith.constant 0 : i32
        %dma_wait3A_159 = arith.constant 0 : i32
        %dma_wait3A_160 = tpu.memref_slice %arg5[%dma_wait3A_158, %dma_wait3A_159] : memref<204800x128xf32, #tpu.memory_space<hbm>> -> memref<128x128xf32, #tpu.memory_space<hbm>>
        %dma_wait3A_161 = arith.constant 0 : i32
        %dma_wait3A_162 = arith.constant 0 : i32
        %dma_wait3A_163 = tpu.memref_slice %arg8[%rem3A_148, %dma_wait3A_161, %dma_wait3A_162] : memref<6x128x128xf32, #tpu.memory_space<vmem>> -> memref<1x128x128xf32, #tpu.memory_space<vmem>>
        %dma_wait3A_164 = tpu.memref_squeeze %dma_wait3A_163 : memref<1x128x128xf32, #tpu.memory_space<vmem>> -> memref<128x128xf32, #tpu.memory_space<vmem>>
        tpu.wait_dma2 semaphore(%dma_wait3A_157 : memref<!tpu.dma_semaphore, #tpu.memory_space<semaphore_mem>>) src(%dma_wait3A_164 : memref<128x128xf32, #tpu.memory_space<vmem>>) dst(%dma_wait3A_160 : memref<128x128xf32, #tpu.memory_space<hbm>>)
      } else {
      }
      %add3A_139 = arith.constant 5 : i32
      %add3A_140 = arith.addi %scan3A_103, %add3A_139 : i32
      %lt3A = arith.constant 50 : i32
      %lt3A_141 = arith.cmpi slt, %add3A_140, %lt3A : i32
      %convert_element_type3A_142 = arith.extui %lt3A_141 : i1 to i32
      %cond3A_143 = arith.constant 0 : i32
      %cond3A_144 = arith.cmpi ne, %convert_element_type3A_142, %cond3A_143 : i32
      scf.if %cond3A_144 {
        %add3A_145 = arith.constant 5 : i32
        %add3A_146 = arith.addi %scan3A_103, %add3A_145 : i32
        %rem3A_147 = arith.constant 6 : i32
        %rem3A_148 = arith.remsi %add3A_146, %rem3A_147 : i32
        %dma_start3A_149 = arith.constant 0 : i32
        %dma_start3A_150 = arith.constant 0 : i32
        %dma_start3A_151 = tpu.memref_slice %arg8[%rem3A_148, %dma_start3A_149, %dma_start3A_150] : memref<6x128x128xf32, #tpu.memory_space<vmem>> -> memref<1x128x128xf32, #tpu.memory_space<vmem>>
        %dma_start3A_152 = tpu.memref_squeeze %dma_start3A_151 : memref<1x128x128xf32, #tpu.memory_space<vmem>> -> memref<128x128xf32, #tpu.memory_space<vmem>>
        %dma_start3A_153 = arith.constant 0 : i32
        %dma_start3A_154 = tpu.memref_slice %arg6[%add3A_146, %dma_start3A_153] : memref<50x128xi32, #tpu.memory_space<vmem>> -> memref<1x128xi32, #tpu.memory_space<vmem>>
        %dma_start3A_155 = tpu.memref_squeeze %dma_start3A_154 : memref<1x128xi32, #tpu.memory_space<vmem>> -> memref<128xi32, #tpu.memory_space<vmem>>
        %dma_start3A_156 = arith.constant 0 : i32
        %dma_start3A_157 = arith.constant 0 : i32
        %dma_start3A_158 = tpu.memref_slice %arg2[%dma_start3A_156, %dma_start3A_157] : memref<100000x128xf32, #tpu.memory_space<hbm>> -> memref<100000x128xf32, #tpu.memory_space<hbm>>
        %dma_start3A_159 = tpu.memref_slice %arg9[%rem3A_148] : memref<6x!tpu.dma_semaphore, #tpu.memory_space<semaphore_mem>> -> memref<1x!tpu.dma_semaphore, #tpu.memory_space<semaphore_mem>>
        %dma_start3A_160 = tpu.memref_squeeze %dma_start3A_159 : memref<1x!tpu.dma_semaphore, #tpu.memory_space<semaphore_mem>> -> memref<!tpu.dma_semaphore, #tpu.memory_space<semaphore_mem>>
        tpu.enqueue_indirect_dma source(%dma_start3A_158 : memref<100000x128xf32, #tpu.memory_space<hbm>>) target(%dma_start3A_152 : memref<128x128xf32, #tpu.memory_space<vmem>>) offsets(%dma_start3A_155 : memref<128xi32, #tpu.memory_space<vmem>>) semaphore(%dma_start3A_160 : memref<!tpu.dma_semaphore, #tpu.memory_space<semaphore_mem>>)
      } else {
      }
    }
    %scan3A_85 = arith.constant 50 : i32
    %dma_wait3A = arith.constant 1 : i32
    %dma_wait3A_86 = arith.constant 1 : i32
    %dma_wait3A_87 = arith.constant 0 : i32
    %dma_wait3A_88 = arith.constant 0 : i32
    %dma_wait3A_89 = tpu.memref_slice %arg8[%dma_wait3A, %dma_wait3A_87, %dma_wait3A_88] : memref<6x128x128xf32, #tpu.memory_space<vmem>> -> memref<1x128x128xf32, #tpu.memory_space<vmem>>
    %dma_wait3A_90 = tpu.memref_squeeze %dma_wait3A_89 : memref<1x128x128xf32, #tpu.memory_space<vmem>> -> memref<128x128xf32, #tpu.memory_space<vmem>>
    %dma_wait3A_91 = arith.constant 0 : i32
    %dma_wait3A_92 = arith.constant 0 : i32
    %dma_wait3A_93 = tpu.memref_slice %arg5[%dma_wait3A_91, %dma_wait3A_92] : memref<204800x128xf32, #tpu.memory_space<hbm>> -> memref<128x128xf32, #tpu.memory_space<hbm>>
    %dma_wait3A_94 = tpu.memref_slice %arg10[%dma_wait3A_86] : memref<6x!tpu.dma_semaphore, #tpu.memory_space<semaphore_mem>> -> memref<1x!tpu.dma_semaphore, #tpu.memory_space<semaphore_mem>>
    %dma_wait3A_95 = tpu.memref_squeeze %dma_wait3A_94 : memref<1x!tpu.dma_semaphore, #tpu.memory_space<semaphore_mem>> -> memref<!tpu.dma_semaphore, #tpu.memory_space<semaphore_mem>>
    %dma_wait3A_96 = arith.constant 0 : i32
    %dma_wait3A_97 = arith.constant 0 : i32
    %dma_wait3A_98 = tpu.memref_slice %arg5[%dma_wait3A_96, %dma_wait3A_97] : memref<204800x128xf32, #tpu.memory_space<hbm>> -> memref<128x128xf32, #tpu.memory_space<hbm>>
    %dma_wait3A_99 = arith.constant 0 : i32
    %dma_wait3A_100 = arith.constant 0 : i32
    %dma_wait3A_101 = tpu.memref_slice %arg8[%dma_wait3A, %dma_wait3A_99, %dma_wait3A_100] : memref<6x128x128xf32, #tpu.memory_space<vmem>> -> memref<1x128x128xf32, #tpu.memory_space<vmem>>
    %dma_wait3A_102 = tpu.memref_squeeze %dma_wait3A_101 : memref<1x128x128xf32, #tpu.memory_space<vmem>> -> memref<128x128xf32, #tpu.memory_space<vmem>>
    tpu.wait_dma2 semaphore(%dma_wait3A_95 : memref<!tpu.dma_semaphore, #tpu.memory_space<semaphore_mem>>) src(%dma_wait3A_102 : memref<128x128xf32, #tpu.memory_space<vmem>>) dst(%dma_wait3A_98 : memref<128x128xf32, #tpu.memory_space<hbm>>)
    return
  }
}

</mosaic_0001>

<sc_bundles>
// kernel: branch_0_fun.3.cloned.1.call-start
scs
__scs_entry_jumppad:
0x0: {  	(pc) =	sbr.rel $0x88, $3  }
0x1: {  	(tag) =	ssettag $0x0;
	lr =	simm.s32 $0x1  }
0x2: {  	[smem:$0x3F9E] =	sst lr;
	_ =	strace $0xD0000000  }
0x3: {  	_ = 	snop  }
0x4: {  	_ = 	snop  }
0x5: {  	_ = 	snop  }
0x6: {  	_ = 	snop  }
0x7: {  	_ = 	snop  }
__scs_overlays_trampoline_lowered:
0x8: {  	[smem:$0x3FAD] =	sst s0  }
0x9: {  	[smem:$0x3FAE] =	sst s1  }
0xa: {  	[smem:$0x3FAF] =	sst s2  }
0xb: {  	[smem:$0x3FB0] =	sst s3  }
0xc: {  	[smem:$0x3FB1] =	sst s4  }
0xd: {  	[smem:$0x3FB2] =	sst s5  }
0xe: {  	[smem:$0x3FB3] =	sst s6  }
0xf: {  	[smem:$0x3FB4] =	sst s7  }
0x10: {  	[smem:$0x3FB5] =	sst s8  }
0x11: {  	[smem:$0x3FB6] =	sst s9;
	s0 =	simm.s32 @!p0 $0x0  }
0x12: {  	s1 =	sld [smem:$0x3F9C];
	s0 =	simm.s32 @p0 $0x1  }
0x13: {  	[smem:$0x3FB7] =	sst s0;
	s0 =	simm.s32 @!p1 $0x0  }
0x14: {  	s2 =	sld [smem:$0x3F9B];
	s0 =	simm.s32 @p1 $0x1  }
0x15: {  	[smem:$0x3FB8] =	sst s0;
	s0 =	simm.s32 @!p2 $0x0  }
0x16: {  	s3 =	sld [smem:$0x3FDB];
	s0 =	simm.s32 @p2 $0x1  }
0x17: {  	s4 =	simm.s32 $0x1BF5;
	[smem:$0x3FBA] =	sst s0  }
0x18: {  	s0 =	sld [smem:$0x3F9D];
	_ =	swait.ge [sflag:s4], $0x0  }
0x19: {  	s7 =	sld [smem:$0x3F9E]  }
0x1a: {  	s8 =	sadd.s32 $0xFFFFE003, lr  }
0x1b: {  	s9 =	sadd.s32 $0xFFFFFEF7, lr;
	s5 =	simm.s32 $0xFFFFFFFF;
	p2 =	slt.u32 s8, $0xFFFFF086  }
0x1c: {  	p1 =	slt.u32 s9, $0xF7A;
	s5 =	simm.s32 @!p2 $0x0  }
0x1d: {  	s5 =	simm.s32 @p1 $0x1;
	p0 =	seq.s32 s7, s2  }
0x1e: {  	s7 =	smul.u32 @!p0 $0xF7A, s2;
	p2 =	seq.s32 @!p0 s5, $0x0  }
0x1f: {  	s9 =	smul.u32 $0xF7A, s1;
	s8 =	simm.s32 @!p0 $0x1BF5;
	p2 =	por !p2, p0  }
0x20: {  	[sflag:s8] =	ssyncset.s32 @!p0 $0xFFFFF086;
	s6 =	sadd.s32 @!p0 s3, s7;
	s7 =	simm.s32 @!p0 $0x108  }
0x21: {  	s3 =	sadd.s32 s3, s9;
	s6 =	sadd.s32 @!p0 $0x88, s6;
	s7 =	simm.s32 @p2 $0x1082  }
0x22: {  	[simem:s7], [sflag:s8] =	dma.local @!p0 [hbm:s6], $0xF7A  }
0x23: {  	s9 =	sor.u32 $0xD0000000, s2;
	s6 =	simm.s32 $0x108;
	_ =	swait.ge @!p0 [sflag:s8], $0x0  }
0x24: {  	s3 =	sadd.s32 $0x88, s3;
	s6 =	simm.s32 @!p1 $0x1082;
	[sflag:s4] =	ssyncset.s32 $0xFFFFF086  }
0x25: {  	[simem:s6], [sflag:s4] =	dma.local [hbm:s3], $0xF7A  }
0x26: {  	[smem:$0x3F9E] =	sst s1;
	(tag) =	ssettag s2;
	_ =	strace s9  }
0x27: {  	s1 =	sld [smem:$0x3FAE]  }
0x28: {  	s2 =	sld [smem:$0x3FAF]  }
0x29: {  	s4 =	sld [smem:$0x3FB1]  }
0x2a: {  	p0 =	seq.s32 s5, $0x0;
	s5 =	sld [smem:$0x3FB2]  }
0x2b: {  	s6 =	sld [smem:$0x3FB3]  }
0x2c: {  	s7 =	sld [smem:$0x3FB4]  }
0x2d: {  	s3 =	simm.s32 $0x108;
	s8 =	sld [smem:$0x3FB5]  }
0x2e: {  	s3 =	simm.s32 @!p0 $0x1082;
	s9 =	sld [smem:$0x3FB6]  }
0x2f: {  	lr =	sadd.s32 s0, s3;
	s0 =	sld [smem:$0x3FAD]  }
0x30: {  	s3 =	sld [smem:$0x3FB0]  }
0x31: {  	[smem:$0x3FB9] =	sst s10  }
0x32: {  	s10 =	sld [smem:$0x3FB7];
	_ =	sdelay $0x3  }
0x33: {  	p0 =	seq.s32 s10, $0x1;
	s10 =	sld [smem:$0x3FB9];
	_ =	sdelay $0x3  }
0x34: {  	[smem:$0x3FB9] =	sst s10  }
0x35: {  	s10 =	sld [smem:$0x3FB8];
	_ =	sdelay $0x3  }
0x36: {  	p1 =	seq.s32 s10, $0x1;
	s10 =	sld [smem:$0x3FB9];
	_ =	sdelay $0x3  }
0x37: {  	[smem:$0x3FB9] =	sst s10  }
0x38: {  	s10 =	sld [smem:$0x3FBA]  }
0x39: {  	_ = 	snop;
	(pc) =	sbr.ind lr, $3  }
0x3a: {  	_ = 	snop  }
0x3b: {  	_ = 	snop  }
0x3c: {  	p2 =	seq.s32 s10, $0x1;
	s10 =	sld [smem:$0x3FB9]  }
0x3d: {  	_ =	shalt  }
0x3e: {  	_ =	shalt  }
0x3f: {  	_ =	shalt  }
0x40: {  	_ =	shalt  }
0x41: {  	_ =	shalt  }
0x42: {  	_ =	shalt  }
0x43: {  	_ =	shalt  }
0x44: {  	_ =	shalt  }
0x45: {  	_ =	shalt  }
0x46: {  	_ =	shalt  }
0x47: {  	_ =	shalt  }
0x48: {  	_ =	shalt  }
0x49: {  	_ =	shalt  }
0x4a: {  	_ =	shalt  }
0x4b: {  	_ =	shalt  }
0x4c: {  	_ =	shalt  }
0x4d: {  	_ =	shalt  }
0x4e: {  	_ =	shalt  }
0x4f: {  	_ =	shalt  }
0x50: {  	_ =	shalt  }
0x51: {  	_ =	shalt  }
0x52: {  	_ =	shalt  }
0x53: {  	_ =	shalt  }
0x54: {  	_ =	shalt  }
0x55: {  	_ =	shalt  }
0x56: {  	_ =	shalt  }
0x57: {  	_ =	shalt  }
0x58: {  	_ =	shalt  }
0x59: {  	_ =	shalt  }
0x5a: {  	_ =	shalt  }
0x5b: {  	_ =	shalt  }
0x5c: {  	_ =	shalt  }
0x5d: {  	_ =	shalt  }
0x5e: {  	_ =	shalt  }
0x5f: {  	_ =	shalt  }
0x60: {  	_ =	shalt  }
0x61: {  	_ =	shalt  }
0x62: {  	_ =	shalt  }
0x63: {  	_ =	shalt  }
0x64: {  	_ =	shalt  }
0x65: {  	_ =	shalt  }
0x66: {  	_ =	shalt  }
0x67: {  	_ =	shalt  }
0x68: {  	_ =	shalt  }
0x69: {  	_ =	shalt  }
0x6a: {  	_ =	shalt  }
0x6b: {  	_ =	shalt  }
0x6c: {  	_ =	shalt  }
0x6d: {  	_ =	shalt  }
0x6e: {  	_ =	shalt  }
0x6f: {  	_ =	shalt  }
0x70: {  	_ =	shalt  }
0x71: {  	_ =	shalt  }
0x72: {  	_ =	shalt  }
0x73: {  	_ =	shalt  }
0x74: {  	_ =	shalt  }
0x75: {  	_ =	shalt  }
0x76: {  	_ =	shalt  }
0x77: {  	_ =	shalt  }
0x78: {  	_ =	shalt  }
0x79: {  	_ =	shalt  }
0x7a: {  	_ =	shalt  }
0x7b: {  	_ =	shalt  }
0x7c: {  	_ =	shalt  }
0x7d: {  	_ =	shalt  }
0x7e: {  	_ =	shalt  }
0x7f: {  	_ =	shalt  }
0x80: {  	_ =	shalt  }
0x81: {  	_ =	shalt  }
0x82: {  	_ =	shalt  }
0x83: {  	_ =	shalt  }
0x84: {  	_ =	shalt  }
0x85: {  	_ =	shalt  }
0x86: {  	_ =	shalt  }
0x87: {  	_ =	shalt  }
.Lfunc_end0:
.L_simem_size_0:
called_computation_lowered:
.L_overlay_start_0:
0x88: {  	s2 =	sld [smem:$0x3FD9]  }
0x89: {  	s3 =	sld [smem:$0x3FFE];
	_ =	sdelay $0x1  }
0x8a: {  	s1 =	srdreg.scid  }
0x8b: {  	s0 =	sand.u32 $0x1, s1  }
0x8c: {  	s17 =	sshll.u32 s0, $0xA;
	s2 =	sadd.s32 s3, s2  }
0x8d: {  	s2 =	sadd.s32 s2, s17  }
0x8e: {  	[smem:$0x3FC5] =	sst s2  }
0x8f: {  	_ = 	snop  }
0x90: {  	s2 =	sld [smem:$0x3FC8]  }
0x91: {  	s18 =	sld [smem:$0x3FC7]  }
0x92: {  	s4 =	sld [smem:$0x3FD0];
	(tm) =	ssettm $0x1  }
0x93: {  	s5 =	sld [smem:$0x3FFB];
	_ =	sdelay $0x3  }
0x94: {  	_ =	strace s5  }
0x95: {  	s5 =	sld [smem:$0x3FFC];
	_ =	sdelay $0x3  }
0x96: {  	_ =	strace s5  }
0x97: {  	s5 =	sld [smem:$0x3FFD];
	_ =	sdelay $0x3  }
0x98: {  	_ =	strace s5  }
0x99: {  	_ =	strace $0x8FFFFFFF  }
0x9a: {  	s19 =	sld [smem:$0x3FDB];
	_ =	sdelay $0x1  }
0x9b: {  	s6 =	simm.s32 $_scs_section_size  }
0x9c: {  	s7 =	simm.s32 $_size__tile_overlayer_lowered;
	s8 =	simm.s32 $_tile_overlayer_lowered  }
0x9d: {  	s22 =	simm.s32 $0x1BFF;
	s21 =	sshll.u32 s8, $0x1;
	s5 =	sadd.s32 s6, s19  }
0x9e: {  	s9 =	simm.s32 $0x0;
	s20 =	sshll.u32 s7, $0x1;
	s7 =	sadd.s32 s21, s5  }
0x9f: {  	[timem:s9], [sflag:s22] =	dma.local [hbm:s7], s20  }
0xa0: {  	_ =	swait.ge [sflag:s22], s20  }
0xa1: {  	s6 =	ssub.s32 $0x0, s20;
	[sflag:s22] =	ssyncset.done $0x0  }
0xa2: {  	[sflag:s22] =	ssyncadd.s32 s6;
	_ =	sdelay $0x1  }
0xa3: {  	s23 =	simm.s32 $0x1B8B  }
0xa4: {  	_ =	swait.ge [sflag:s23], $0x1  }
0xa5: {  	[sflag:s23] =	ssyncset.done $0x0  }
0xa6: {  	s25 =	simm.s32 $0x1B8E;
	s24 =	sld [smem:$0x3FFE];
	[sflag:s23] =	ssyncadd.s32 $0xFFFFFFFF  }
0xa7: {  	s26 =	simm.s32 $execute0_lowered;
	[smem:$0x3FD2] =	sst s25  }
0xa8: {  	s7 =	sshll.u32 s26, $0x1;
	_ =	strace $0x80000046;
	[dreg:$0x1] =	wrdreg $0xFFFFFFFF  }
0xa9: {  	s28 =	simm.s32 $_size_execute0_lowered;
	s5 =	sadd.s32 s5, s7;
	[dreg:$0x0] =	wrdreg $0x0  }
0xaa: {  	s7 =	sshll.u32 s28, $0x1;
	[dreg:$0x2] =	wrdreg s5  }
0xab: {  	[dreg:$0x3] =	wrdreg s7  }
0xac: {  	[dreg:$0x4] =	wrdreg $0xC0  }
0xad: {  	_ =	task [dreg:s9], $0x5FFFF  }
0xae: {  	[dreg:$0x1] =	wrdreg $0xFFFFFFFF  }
0xaf: {  	[dreg:$0x0] =	wrdreg $0x60  }
0xb0: {  	[dreg:$0x2] =	wrdreg s2  }
0xb1: {  	[dreg:$0x3] =	wrdreg s24  }
0xb2: {  	[dreg:$0x4] =	wrdreg s18  }
0xb3: {  	[dreg:$0x5] =	wrdreg s4  }
0xb4: {  	[dreg:$0x6] =	wrdreg $0x9  }
0xb5: {  	_ =	task.clear_ibuf [dreg:s9], $0x7FFFF;
	_ =	strace $0x90000046  }
0xb6: {  	s29 =	simm.s32 $0x9;
	_ =	strace $0x80000048  }
0xb7: {  	_ =	swait.ge [sflag:s29], $0x1  }
0xb8: {  	[sflag:s29] =	ssyncadd.s32 $0xFFFFFFFF  }
0xb9: {  	_ =	strace $0x90000048  }
0xba: {  	_ =	sfence  }
0xbb: {  	s30 =	sld [smem:$0x0];
	_ =	sdelay $0x2  }
0xbc: {  	s31 =	sshll.u32 s1, $0xD;
	s1 =	sshrl.u32 s1, $0x2  }
0xbd: {  	s3 =	sand.u32 $0x4000, s31;
	s1 =	sadd.s32 s1, s30  }
0xbe: {  	s0 =	sor.u32 s3, s0;
	s1 =	sshll.u32 s1, $0x11  }
0xbf: {  	s0 =	sor.u32 s1, s0  }
0xc0: {  	s0 =	sadd.s32 $0x8F2B, s0  }
0xc1: {  	[sflag:s0] =	ssyncadd.remote.s32 $0x1  }
0xc2: {  	_ =	sfence.sel $0xFFFF  }
0xc3: {  	[dreg:$0x0] =	wrdreg $0xFFFFFFFF;
	(pc) =	sbr.abs _section_cstart, $3  }
0xc4: {  	[dreg:$0x1] =	wrdreg $0xFFFFFFFF  }
0xc5: {  	_ =	task.clear_ibuf [dreg:s9], $0x2FFFF;
	_ =	strace $0x9FFFFFFF  }
0xc6: {  	(tm) =	ssettm $0x7FFFFFFF  }
0xc7: {  	_ =	shalt  }
tec
execute0_lowered:
.L_overlay_start_1:
0x0: {  	(tag) =	ssettag $0x1  }
0x1: {  	s2 =	srdreg.scid;
	s1 =	stileid.u32  }
0x2: {  	s2 =	sand.u32 $0x1, s2;
	s3 =	sshll.u32 s1, $0x1  }
0x3: {  	s3 =	sor.u32 s2, s3  }
0x4: {  	s2 =	ssub.s32 $0x2, s2;
	s6 =	smul.u32 $0x380, s3  }
.Ltmp0:
0x5: {  	s7 =	sshrl.u32 s2, $0x1;
	(pc) =	sbr.rel .LBB2_1-.Ltmp0, $4  }
0x6: {  	s0 =	rddreg [dreg:$0x1];
	s5 =	simm.s32 $0x0;
	s2 =	ssub.s32 s2, s7  }
0x7: {  	[smem:$0x7FF] =	sst s5;
	s0 =	sadd.s32 s6, s0;
	s31 =	smax.u32 s2, $0x1  }
0x8: {  	_ =	strace $0x80000047;
	s0 =	sadd.s32 $0xA00, s0;
	[dreg:$0x6] =	wrdreg s31  }
0x9: {  	s7 =	smul.u32 $0xC8000, s3;
	s2 =	simm.s32 $0x0;
	[dreg:$0x5] =	wrdreg s0  }
.LBB2_7:
0xa: {  	s1 =	simm.s32 $0x8  }
0xb: {  	_ =	swait.ge [sflag:s1], $0x4000  }
0xc: {  	s2 =	rddreg [dreg:$0x7]  }
0xd: {  	s0 =	rddreg [dreg:$0x6];
	s2 =	sadd.s32 $0x1, s2  }
0xe: {  	p0 =	sne.s32 s2, s0  }
.Ltmp1:
0xf: {  	_ = 	snop;
	(pc) =	sbr.rel @!p0 .LBB2_8-.Ltmp1, $3  }
0x10: {  	_ =	sdelay $0x1  }
0x11: {  	[sflag:s1] =	ssyncset.done $0x0  }
0x12: {  	[sflag:s1] =	ssyncadd.s32 $0xFFFFC000  }
.LBB2_1:
0x13: {  	[dreg:$0x7] =	wrdreg s2  }
0x14: {  	s0 =	rddreg [dreg:$0x5];
	s1 =	simm.s32 $0xD  }
0x15: {  	[tilespmem:s5], [sflag:$0xD] =	stream.linear.gather [hbm4b:s0+s5], $0x1900, $0x38;
	[tilespmem:$0x19C80] =	vst v63  }
0x16: {  	_ =	swait.ge [sflag:s1], $0x1900  }
0x17: {  	[sflag:s1] =	ssyncset.done $0x0  }
0x18: {  	[sflag:s1] =	ssyncadd.s32 $0xFFFFE700  }
0x19: {  	s22 =	simm.s32 $0x1C00;
	s21 =	rddreg [dreg:$0x2]  }
0x1a: {  	[tilespmem:s22], [sflag:$0xD] =	stream.linear.gather [hbm4b:s21+s5], $0x80, $0x38;
	[tilespmem:$0x19C80] =	vst v63  }
0x1b: {  	_ =	swait.ge [sflag:s1], $0x80  }
0x1c: {  	[sflag:s1] =	ssyncset.done $0x0  }
0x1d: {  	[sflag:s1] =	ssyncadd.s32 $0xFFFFFF80  }
0x1e: {  	s24 =	simm.s32 $0x80;
	s21 =	simm.s32 $0x1C80;
	s23 =	rddreg [dreg:$0x0]  }
0x1f: {  	[tilespmem:s21], [sflag:$0x1] =	stream.indirect.gather [hbm4b:s23+s24], $0x80, s5, s24, $0xb8;
	[tilespmem:$0x19C80] =	vst v63  }
0x20: {  	s25 =	simm.s32 $0x5C80  }
0x21: {  	[tilespmem:s25], [sflag:$0x2] =	stream.indirect.gather [hbm4b:s23+s24], $0x80, s24, s24, $0xb8;
	[tilespmem:$0x19C80] =	vst v63  }
0x22: {  	s26 =	simm.s32 $0x100;
	s3 =	simm.s32 $0x9C80  }
0x23: {  	[tilespmem:s3], [sflag:$0x3] =	stream.indirect.gather [hbm4b:s23+s24], $0x80, s26, s24, $0xb8;
	[tilespmem:$0x19C80] =	vst v63  }
.Ltmp2:
0x24: {  	_ = 	snop;
	(pc) =	sbr.rel .LBB2_2-.Ltmp2, $4  }
0x25: {  	s28 =	simm.s32 $0x180;
	s29 =	simm.s32 $0xDC80  }
0x26: {  	[tilespmem:s29], [sflag:$0x4] =	stream.indirect.gather [hbm4b:s23+s24], $0x80, s28, s24, $0xb8;
	[tilespmem:$0x19C80] =	vst v63  }
0x27: {  	s30 =	simm.s32 $0x200;
	s31 =	simm.s32 $0x11C80;
	s22 =	simm.s32 $0x0  }
0x28: {  	[tilespmem:s31], [sflag:$0x5] =	stream.indirect.gather [hbm4b:s23+s24], $0x80, s30, s24, $0xb8;
	[tilespmem:$0x19C80] =	vst v63  }
.LBB2_6:
0x29: {  	s22 =	sadd.s32 $0x1, s22  }
0x2a: {  	p0 =	sne.s32 s22, $0x32  }
.Ltmp3:
0x2b: {  	_ = 	snop;
	(pc) =	sbr.rel @!p0 .LBB2_7-.Ltmp3, $2  }
0x2c: {  	_ =	sdelay $0x2  }
0x2d: {  	s21 =	sadd.s32 $0x4000, s21  }
.LBB2_2:
0x2e: {  	s0 =	smulhi.u32 $0xAAAAAAAB, s22  }
0x2f: {  	s2 =	smul.u32 $0xAB, s22;
	_ =	sdelay $0x1  }
0x30: {  	s0 =	sshrl.u32 s0, $0x2;
	s2 =	sshrl.u32 s2, $0xA  }
0x31: {  	s0 =	smul.u32 $0xFFFA0000, s0;
	s2 =	sand.u32 $0x3F, s2  }
0x32: {  	s2 =	smul.u32 $0x6, s2  }
0x33: {  	s0 =	sshra.s32 s0, $0x2  }
0x34: {  	s0 =	sadd.s32 s0, s21;
	s2 =	ssub.s32 s22, s2  }
0x35: {  	s23 =	sand.u32 $0xFF, s2;
	v0 =	vmov s0  }
0x36: {  	s6 =	sadd.s32 $0x1, s23  }
0x37: {  	_ =	swait.ge [sflag:s6], $0x4000  }
0x38: {  	[sflag:s6] =	ssyncset.done $0x0  }
0x39: {  	s24 =	simm.s32 $0x0;
	[sflag:s6] =	ssyncadd.s32 $0xFFFFC000  }
0x3a: {  	v11 =	vld.idx.msk [tilespmem:v0+s24+$0x0 ss:$0x1], $0xffff  }
0x3b: {  	v9 =	vld.idx.msk [tilespmem:v0+s24+$0x10 ss:$0x1], $0xffff;
	_ =	sdelay $0x1  }
0x3c: {  	v14 =	vld.idx.msk [tilespmem:v0+s24+$0x20 ss:$0x1], $0xffff;
	_ =	sdelay $0x1  }
0x3d: {  	v31 =	vld.idx.msk [tilespmem:v0+s24+$0x30 ss:$0x1], $0xffff  }
0x3e: {  	v1 =	vmul.f32 v11, v11;
	v2 =	vmul.f32 v9, v9  }
0x3f: {  	v24 =	vld.idx.msk [tilespmem:v0+s24+$0x40 ss:$0x1], $0xffff  }
0x40: {  	v1 =	vadd.f32 v2, v1;
	v2 =	vmul.f32 v14, v14  }
0x41: {  	v38 =	vld.idx.msk [tilespmem:v0+s24+$0x50 ss:$0x1], $0xffff  }
0x42: {  	v1 =	vadd.f32 v2, v1;
	v2 =	vmul.f32 v31, v31  }
0x43: {  	v32 =	vld.idx.msk [tilespmem:v0+s24+$0x60 ss:$0x1], $0xffff  }
0x44: {  	v1 =	vadd.f32 v2, v1;
	v2 =	vmul.f32 v24, v24  }
0x45: {  	v41 =	vld.idx.msk [tilespmem:v0+s24+$0x70 ss:$0x1], $0xffff  }
0x46: {  	v1 =	vadd.f32 v2, v1;
	v2 =	vmul.f32 v38, v38;
	_ =	sdelay $0x1  }
0x47: {  	s25 =	simm.s32 $0x80;
	v1 =	vadd.f32 v2, v1;
	v2 =	vmul.f32 v32, v32  }
0x48: {  	v16 =	vld.idx.msk [tilespmem:v0+s25+$0x0 ss:$0x1], $0xffff  }
0x49: {  	v35 =	vld.idx.msk [tilespmem:v0+s25+$0x10 ss:$0x1], $0xffff;
	v1 =	vadd.f32 v2, v1;
	v2 =	vmul.f32 v41, v41;
	_ =	sdelay $0x1  }
0x4a: {  	v27 =	vld.idx.msk [tilespmem:v0+s25+$0x20 ss:$0x1], $0xffff;
	v1 =	vadd.f32 v2, v1;
	_ =	sdelay $0x1  }
0x4b: {  	v21 =	vld.idx.msk [tilespmem:v0+s25+$0x30 ss:$0x1], $0xffff;
	(xrf2) =	vadd.scan.msk.f32 $0xffff, v1  }
0x4c: {  	v2 =	vmul.f32 v35, v35;
	v1 =	vmul.f32 v16, v16  }
0x4d: {  	v37 =	vld.idx.msk [tilespmem:v0+s25+$0x40 ss:$0x1], $0xffff  }
0x4e: {  	v1 =	vadd.f32 v2, v1;
	v2 =	vmul.f32 v27, v27  }
0x4f: {  	v46 =	vld.idx.msk [tilespmem:v0+s25+$0x50 ss:$0x1], $0xffff  }
0x50: {  	v1 =	vadd.f32 v2, v1;
	v2 =	vmul.f32 v21, v21  }
0x51: {  	v3 =	vld.idx.msk [tilespmem:v0+s25+$0x60 ss:$0x1], $0xffff  }
0x52: {  	v4 =	vmul.f32 v37, v37;
	v2 =	vadd.f32 v2, v1  }
0x53: {  	v1 =	vld.idx.msk [tilespmem:v0+s25+$0x70 ss:$0x1], $0xffff  }
0x54: {  	v2 =	vadd.f32 v4, v2;
	v4 =	vmul.f32 v46, v46  }
0x55: {  	v5, _, _ =	vpop (xrf2)  }
0x56: {  	s26 =	simm.s32 $0x100;
	v2 =	vadd.f32 v4, v2;
	v4 =	vmul.f32 v3, v3;
	(v2sf) =	vpush v5, $0xF  }
0x57: {  	v33 =	vld.idx.msk [tilespmem:v0+s26+$0x0 ss:$0x1], $0xffff  }
0x58: {  	v42 =	vld.idx.msk [tilespmem:v0+s26+$0x10 ss:$0x1], $0xffff;
	v2 =	vadd.f32 v4, v2;
	v4 =	vmul.f32 v1, v1;
	_ =	sdelay $0x1  }
0x59: {  	v39 =	vld.idx.msk [tilespmem:v0+s26+$0x20 ss:$0x1], $0xffff;
	v2 =	vadd.f32 v4, v2;
	_ =	sdelay $0x1  }
0x5a: {  	v47 =	vld.idx.msk [tilespmem:v0+s26+$0x30 ss:$0x1], $0xffff;
	(xrf2) =	vadd.scan.msk.f32 $0xffff, v2  }
0x5b: {  	v4 =	vmul.f32 v42, v42;
	v2 =	vmul.f32 v33, v33  }
0x5c: {  	v8 =	vld.idx.msk [tilespmem:v0+s26+$0x40 ss:$0x1], $0xffff  }
0x5d: {  	v2 =	vadd.f32 v4, v2;
	v4 =	vmul.f32 v39, v39  }
0x5e: {  	v6 =	vld.idx.msk [tilespmem:v0+s26+$0x50 ss:$0x1], $0xffff  }
0x5f: {  	v5 =	vmul.f32 v47, v47;
	v2 =	vadd.f32 v4, v2  }
0x60: {  	v4 =	vld.idx.msk [tilespmem:v0+s26+$0x60 ss:$0x1], $0xffff  }
0x61: {  	v7 =	vmul.f32 v8, v8;
	v5 =	vadd.f32 v5, v2  }
0x62: {  	v2 =	vld.idx.msk [tilespmem:v0+s26+$0x70 ss:$0x1], $0xffff  }
0x63: {  	v5 =	vadd.f32 v7, v5;
	v7 =	vmul.f32 v6, v6;
	s8 =	spop (v2sf)  }
0x64: {  	v10, _, _ =	vpop (xrf2);
	s0 =	smul.f32 $7.812500000e-03, s8  }
0x65: {  	v5 =	vadd.f32 v7, v5;
	v7 =	vmul.f32 v4, v4;
	(v2sf) =	vpush v10, $0xF  }
0x66: {  	s0 =	sadd.f32 $9.999999970e-07, s0  }
0x67: {  	v5 =	vadd.f32 v7, v5;
	v7 =	vmul.f32 v2, v2  }
0x68: {  	s9 =	sshrl.u32 s0, $0x1;
	s0 =	smul.f32 $5.000000000e-01, s0  }
0x69: {  	s28 =	simm.s32 $0x180;
	v5 =	vadd.f32 v7, v5;
	s2 =	ssub.s32 $0x5F3759DF, s9  }
0x6a: {  	v40 =	vld.idx.msk [tilespmem:v0+s28+$0x0 ss:$0x1], $0xffff;
	s3 =	smul.f32 s2, s0  }
0x6b: {  	v48 =	vld.idx.msk [tilespmem:v0+s28+$0x10 ss:$0x1], $0xffff;
	(xrf2) =	vadd.scan.msk.f32 $0xffff, v5  }
0x6c: {  	s3 =	smul.f32 s2, s3  }
0x6d: {  	v18 =	vld.idx.msk [tilespmem:v0+s28+$0x20 ss:$0x1], $0xffff  }
0x6e: {  	s3 =	ssub.f32 $1.500000000e+00, s3  }
0x6f: {  	v15 =	vld.idx.msk [tilespmem:v0+s28+$0x30 ss:$0x1], $0xffff  }
0x70: {  	v7 =	vmul.f32 v48, v48;
	v5 =	vmul.f32 v40, v40;
	s2 =	smul.f32 s2, s3  }
0x71: {  	v12 =	vld.idx.msk [tilespmem:v0+s28+$0x40 ss:$0x1], $0xffff  }
0x72: {  	v5 =	vadd.f32 v7, v5;
	v7 =	vmul.f32 v18, v18;
	s0 =	smul.f32 s2, s0  }
0x73: {  	v10 =	vld.idx.msk [tilespmem:v0+s28+$0x50 ss:$0x1], $0xffff  }
0x74: {  	v17 =	vld [tilespmem:$0x1C00];
	v13 =	vmul.f32 v15, v15;
	v5 =	vadd.f32 v7, v5;
	s10 =	spop (v2sf);
	s0 =	smul.f32 s0, s2  }
0x75: {  	v7 =	vld.idx.msk [tilespmem:v0+s28+$0x60 ss:$0x1], $0xffff;
	v20, _, _ =	vpop (xrf2);
	s3 =	smul.f32 $7.812500000e-03, s10  }
0x76: {  	v19 =	vmul.f32 v12, v12;
	v13 =	vadd.f32 v13, v5;
	(v2sf) =	vpush v20, $0xF;
	s0 =	ssub.f32 $1.500000000e+00, s0  }
0x77: {  	v5 =	vld.idx.msk [tilespmem:v0+s28+$0x70 ss:$0x1], $0xffff;
	s3 =	sadd.f32 $9.999999970e-07, s3  }
0x78: {  	v13 =	vadd.f32 v19, v13;
	v19 =	vmul.f32 v10, v10;
	s12 =	smul.f32 s0, s2  }
0x79: {  	s29 =	simm.s32 $0x200;
	s11 =	sshrl.u32 s3, $0x1;
	s13 =	smul.f32 $5.000000000e-01, s3  }
0x7a: {  	v28 =	vld.idx.msk [tilespmem:v0+s29+$0x0 ss:$0x1], $0xffff;
	v13 =	vadd.f32 v19, v13;
	v19 =	vmul.f32 v7, v7;
	s0 =	ssub.s32 $0x5F3759DF, s11;
	v17 =	vmul.f32 s12, v17  }
0x7b: {  	v25 =	vld.idx.msk [tilespmem:v0+s29+$0x10 ss:$0x1], $0xffff;
	s3 =	smul.f32 s0, s13  }
0x7c: {  	v13 =	vadd.f32 v19, v13;
	v19 =	vmul.f32 v5, v5;
	v11 =	vmul.f32 v17, v11  }
0x7d: {  	v22 =	vld.idx.msk [tilespmem:v0+s29+$0x20 ss:$0x1], $0xffff;
	s3 =	smul.f32 s0, s3  }
0x7e: {  	v20 =	vld.idx.msk [tilespmem:v0+s29+$0x30 ss:$0x1], $0xffff;
	v13 =	vadd.f32 v19, v13;
	[tilespmem:v0+s24+$0x0 ss:$0x1] =	vst.idx.msk $0xffff, v11  }
0x7f: {  	s3 =	ssub.f32 $1.500000000e+00, s3;
	v11 =	vld [tilespmem:$0x1C10]  }
0x80: {  	v19 =	vmul.f32 v25, v25;
	(xrf2) =	vadd.scan.msk.f32 $0xffff, v13;
	v13 =	vmul.f32 v28, v28  }
0x81: {  	v17 =	vld.idx.msk [tilespmem:v0+s29+$0x40 ss:$0x1], $0xffff;
	s0 =	smul.f32 s0, s3  }
0x82: {  	v23 =	vmul.f32 v22, v22;
	v19 =	vadd.f32 v19, v13  }
0x83: {  	v13 =	vld.idx.msk [tilespmem:v0+s29+$0x50 ss:$0x1], $0xffff;
	s2 =	smul.f32 s0, s13  }
0x84: {  	v19 =	vadd.f32 v23, v19;
	v23 =	vmul.f32 v20, v20;
	v26 =	vmul.f32 s12, v11  }
0x85: {  	v29 =	vld [tilespmem:$0x1C00];
	s14 =	spop (v2sf);
	s2 =	smul.f32 s2, s0  }
0x86: {  	v19 =	vadd.f32 v23, v19;
	v23 =	vmul.f32 v17, v17;
	v11 =	vld.idx.msk [tilespmem:v0+s29+$0x60 ss:$0x1], $0xffff;
	s3 =	smul.f32 $7.812500000e-03, s14;
	v26 =	vmul.f32 v26, v9  }
0x87: {  	s2 =	ssub.f32 $1.500000000e+00, s2  }
0x88: {  	v19 =	vadd.f32 v23, v19;
	v23 =	vmul.f32 v13, v13;
	v9 =	vld.idx.msk [tilespmem:v0+s29+$0x70 ss:$0x1], $0xffff;
	s3 =	sadd.f32 $9.999999970e-07, s3;
	[tilespmem:v0+s24+$0x10 ss:$0x1] =	vst.idx.msk $0xffff, v26  }
0x89: {  	s31 =	smul.f32 s2, s0;
	v36 =	vld [tilespmem:$0x1C20]  }
0x8a: {  	v19 =	vadd.f32 v23, v19;
	s15 =	sshrl.u32 s3, $0x1;
	s16 =	smul.f32 $5.000000000e-01, s3;
	v26, _, _ =	vpop (xrf2)  }
0x8b: {  	s30 =	simm.s32 $0x280;
	v23 =	vmul.f32 v11, v11;
	s0 =	ssub.s32 $0x5F3759DF, s15;
	(v2sf) =	vpush v26, $0xF;
	v26 =	vmul.f32 s31, v29  }
0x8c: {  	v34 =	vld.idx.msk [tilespmem:v0+s30+$0x0 ss:$0x1], $0xffff;
	s3 =	smul.f32 s0, s16  }
0x8d: {  	v30 =	vld.idx.msk [tilespmem:v0+s30+$0x10 ss:$0x1], $0xffff;
	v19 =	vadd.f32 v23, v19;
	v23 =	vmul.f32 v9, v9;
	v16 =	vmul.f32 v26, v16  }
0x8e: {  	s3 =	smul.f32 s0, s3;
	v26 =	vmul.f32 s12, v36  }
0x8f: {  	v29 =	vld.idx.msk [tilespmem:v0+s30+$0x20 ss:$0x1], $0xffff;
	v19 =	vadd.f32 v23, v19;
	[tilespmem:v0+s25+$0x0 ss:$0x1] =	vst.idx.msk $0xffff, v16  }
0x90: {  	s3 =	ssub.f32 $1.500000000e+00, s3;
	v14 =	vmul.f32 v26, v14;
	v16 =	vld [tilespmem:$0x1C10]  }
0x91: {  	(xrf2) =	vadd.scan.msk.f32 $0xffff, v19;
	v26 =	vld.idx.msk [tilespmem:v0+s30+$0x30 ss:$0x1], $0xffff  }
0x92: {  	v23 =	vld.idx.msk [tilespmem:v0+s30+$0x40 ss:$0x1], $0xffff;
	v19 =	vmul.f32 v30, v30;
	s0 =	smul.f32 s0, s3;
	[tilespmem:v0+s24+$0x20 ss:$0x1] =	vst.idx.msk $0xffff, v14;
	v14 =	vmul.f32 v34, v34  }
0x93: {  	v61 =	vld [tilespmem:$0x1C30]  }
0x94: {  	v43 =	vmul.f32 v29, v29;
	s2 =	smul.f32 s0, s16;
	v14 =	vadd.f32 v19, v14  }
0x95: {  	v19 =	vld.idx.msk [tilespmem:v0+s30+$0x50 ss:$0x1], $0xffff;
	v44 =	vmul.f32 s31, v16  }
0x96: {  	s2 =	smul.f32 s2, s0;
	v62 =	vmul.f32 v26, v26;
	v14 =	vadd.f32 v43, v14  }
0x97: {  	v16 =	vld.idx.msk [tilespmem:v0+s30+$0x60 ss:$0x1], $0xffff;
	v35 =	vmul.f32 v44, v35  }
0x98: {  	v63 =	vld [tilespmem:$0x1C00];
	v45 =	vmul.f32 v23, v23;
	s2 =	ssub.f32 $1.500000000e+00, s2;
	v36 =	vmul.f32 s12, v61;
	v43 =	vadd.f32 v62, v14  }
0x99: {  	v14 =	vld.idx.msk [tilespmem:v0+s30+$0x70 ss:$0x1], $0xffff;
	[tilespmem:v0+s25+$0x10 ss:$0x1] =	vst.idx.msk $0xffff, v35  }
0x9a: {  	s0 =	smul.f32 s2, s0;
	v53 =	vmul.f32 v19, v19;
	s17 =	spop (v2sf);
	v31 =	vmul.f32 v36, v31;
	v52 =	vadd.f32 v45, v43;
	v55 =	vld [tilespmem:$0x1C20]  }
0x9b: {  	v54, _, _ =	vpop (xrf2);
	s3 =	smul.f32 $7.812500000e-03, s17  }
0x9c: {  	(v2sf) =	vpush v54, $0xF;
	v56 =	vmul.f32 v16, v16;
	[tilespmem:v0+s24+$0x30 ss:$0x1] =	vst.idx.msk $0xffff, v31;
	v31 =	vadd.f32 v53, v52  }
0x9d: {  	v57 =	vmul.f32 s0, v63;
	s3 =	sadd.f32 $9.999999970e-07, s3;
	v49 =	vld [tilespmem:$0x1C40]  }
0x9e: {  	v58 =	vmul.f32 v14, v14;
	v31 =	vadd.f32 v56, v31  }
0x9f: {  	s2 =	simm.s32 $0x300;
	v33 =	vmul.f32 v57, v33;
	s18 =	sshrl.u32 s3, $0x1;
	s3 =	smul.f32 $5.000000000e-01, s3;
	v59 =	vmul.f32 s31, v55  }
0xa0: {  	v43 =	vld.idx.msk [tilespmem:v0+s2+$0x0 ss:$0x1], $0xffff;
	s10 =	ssub.s32 $0x5F3759DF, s18;
	v31 =	vadd.f32 v58, v31  }
0xa1: {  	v36 =	vld.idx.msk [tilespmem:v0+s2+$0x10 ss:$0x1], $0xffff;
	[tilespmem:v0+s26+$0x0 ss:$0x1] =	vst.idx.msk $0xffff, v33;
	s13 =	smul.f32 s10, s3;
	v27 =	vmul.f32 v59, v27  }
0xa2: {  	v61 =	vld [tilespmem:$0x1C10];
	v60 =	vmul.f32 s12, v49;
	(xrf2) =	vadd.scan.msk.f32 $0xffff, v31  }
0xa3: {  	v35 =	vld.idx.msk [tilespmem:v0+s2+$0x20 ss:$0x1], $0xffff;
	s13 =	smul.f32 s10, s13;
	[tilespmem:v0+s25+$0x20 ss:$0x1] =	vst.idx.msk $0xffff, v27  }
0xa4: {  	v24 =	vmul.f32 v60, v24;
	v62 =	vld [tilespmem:$0x1C30]  }
0xa5: {  	v33 =	vld.idx.msk [tilespmem:v0+s2+$0x30 ss:$0x1], $0xffff;
	s13 =	ssub.f32 $1.500000000e+00, s13  }
0xa6: {  	v31 =	vld.idx.msk [tilespmem:v0+s2+$0x40 ss:$0x1], $0xffff;
	v27 =	vmul.f32 v36, v36;
	[tilespmem:v0+s24+$0x40 ss:$0x1] =	vst.idx.msk $0xffff, v24;
	v24 =	vmul.f32 v43, v43  }
0xa7: {  	v44 =	vmul.f32 s0, v61;
	s10 =	smul.f32 s10, s13;
	v63 =	vld [tilespmem:$0x1C50]  }
0xa8: {  	v50 =	vmul.f32 v35, v35;
	v24 =	vadd.f32 v27, v24  }
0xa9: {  	v42 =	vmul.f32 v44, v42;
	v27 =	vld.idx.msk [tilespmem:v0+s2+$0x50 ss:$0x1], $0xffff;
	s3 =	smul.f32 s10, s3;
	v54 =	vmul.f32 s31, v62  }
0xaa: {  	v51 =	vld [tilespmem:$0x1C00];
	v56 =	vmul.f32 v33, v33;
	v55 =	vadd.f32 v50, v24  }
0xab: {  	[tilespmem:v0+s26+$0x10 ss:$0x1] =	vst.idx.msk $0xffff, v42;
	s19 =	spop (v2sf);
	v24 =	vld.idx.msk [tilespmem:v0+s2+$0x60 ss:$0x1], $0xffff;
	s3 =	smul.f32 s3, s10;
	v57 =	vmul.f32 v54, v21  }
0xac: {  	v59 =	vmul.f32 v31, v31;
	v52 =	vld [tilespmem:$0x1C20];
	s13 =	smul.f32 $7.812500000e-03, s19;
	v58 =	vmul.f32 s12, v63;
	v45 =	vadd.f32 v56, v55;
	v60, _, _ =	vpop (xrf2)  }
0xad: {  	v21 =	vld.idx.msk [tilespmem:v0+s2+$0x70 ss:$0x1], $0xffff;
	s3 =	ssub.f32 $1.500000000e+00, s3;
	(v2sf) =	vpush v60, $0xF;
	[tilespmem:v0+s25+$0x30 ss:$0x1] =	vst.idx.msk $0xffff, v57  }
0xae: {  	s13 =	sadd.f32 $9.999999970e-07, s13;
	v62 =	vmul.f32 v27, v27;
	v38 =	vmul.f32 v58, v38;
	v61 =	vadd.f32 v59, v45  }
0xaf: {  	v63 =	vld [tilespmem:$0x1C40];
	s10 =	smul.f32 s3, s10;
	s3 =	simm.s32 $0x380  }
0xb0: {  	s14 =	sshrl.u32 s13, $0x1;
	s13 =	smul.f32 $5.000000000e-01, s13;
	v58 =	vmul.f32 v24, v24;
	v45 =	vld.idx.msk [tilespmem:v0+s3+$0x0 ss:$0x1], $0xffff;
	[tilespmem:v0+s24+$0x50 ss:$0x1] =	vst.idx.msk $0xffff, v38;
	v57 =	vadd.f32 v62, v61  }
0xb1: {  	s14 =	ssub.s32 $0x5F3759DF, s14;
	v56 =	vmul.f32 s10, v51;
	v59 =	vld [tilespmem:$0x1C60]  }
0xb2: {  	v60 =	vmul.f32 s0, v52;
	v42 =	vld.idx.msk [tilespmem:v0+s3+$0x10 ss:$0x1], $0xffff;
	s15 =	smul.f32 s14, s13;
	v61 =	vmul.f32 v21, v21;
	v38 =	vadd.f32 v58, v57  }
0xb3: {  	v40 =	vmul.f32 v56, v40  }
0xb4: {  	v44 =	vld.idx.msk [tilespmem:v0+s3+$0x20 ss:$0x1], $0xffff;
	v62 =	vmul.f32 v60, v39;
	s15 =	smul.f32 s14, s15;
	v49 =	vmul.f32 s31, v63;
	v38 =	vadd.f32 v61, v38  }
0xb5: {  	v39 =	vld.idx.msk [tilespmem:v0+s3+$0x30 ss:$0x1], $0xffff;
	[tilespmem:v0+s28+$0x0 ss:$0x1] =	vst.idx.msk $0xffff, v40  }
0xb6: {  	[tilespmem:v0+s26+$0x20 ss:$0x1] =	vst.idx.msk $0xffff, v62;
	s15 =	ssub.f32 $1.500000000e+00, s15;
	v37 =	vmul.f32 v49, v37;
	v63 =	vld [tilespmem:$0x1C10];
	v56 =	vmul.f32 s12, v59;
	(xrf2) =	vadd.scan.msk.f32 $0xffff, v38  }
0xb7: {  	v57 =	vmul.f32 v45, v45;
	v58 =	vmul.f32 v42, v42;
	v59 =	vld [tilespmem:$0x1C30]  }
0xb8: {  	v38 =	vld.idx.msk [tilespmem:v0+s3+$0x40 ss:$0x1], $0xffff;
	s14 =	smul.f32 s14, s15;
	[tilespmem:v0+s25+$0x40 ss:$0x1] =	vst.idx.msk $0xffff, v37;
	v32 =	vmul.f32 v56, v32  }
0xb9: {  	v61 =	vmul.f32 v44, v44;
	v60 =	vadd.f32 v58, v57;
	v62 =	vld [tilespmem:$0x1C50]  }
0xba: {  	v40 =	vld.idx.msk [tilespmem:v0+s3+$0x50 ss:$0x1], $0xffff;
	s13 =	smul.f32 s14, s13;
	[tilespmem:v0+s24+$0x60 ss:$0x1] =	vst.idx.msk $0xffff, v32  }
0xbb: {  	v37 =	vadd.f32 v61, v60;
	v50 =	vmul.f32 s10, v63;
	v63 =	vmul.f32 v39, v39;
	v53 =	vld [tilespmem:$0x1C70]  }
0xbc: {  	v32 =	vld.idx.msk [tilespmem:v0+s3+$0x60 ss:$0x1], $0xffff;
	s13 =	smul.f32 s13, s14;
	v57 =	vmul.f32 s0, v59  }
0xbd: {  	v54 =	vld [tilespmem:$0x1C00];
	v58 =	vmul.f32 v38, v38;
	s20 =	spop (v2sf);
	v48 =	vmul.f32 v50, v48;
	v49 =	vadd.f32 v63, v37  }
0xbe: {  	s16 =	ssub.f32 $1.500000000e+00, s13;
	s13 =	simm.s32 $0x400;
	v37 =	vld.idx.msk [tilespmem:v0+s3+$0x70 ss:$0x1], $0xffff;
	s15 =	smul.f32 $7.812500000e-03, s20;
	v47 =	vmul.f32 v57, v47;
	v59 =	vmul.f32 s31, v62  }
0xbf: {  	v61 =	vmul.f32 v40, v40;
	[tilespmem:v0+s28+$0x10 ss:$0x1] =	vst.idx.msk $0xffff, v48;
	v60 =	vadd.f32 v58, v49;
	v49 =	vld.idx.msk [tilespmem:v0+s13+$0x0 ss:$0x1], $0xffff  }
0xc0: {  	s14 =	smul.f32 s16, s14;
	s15 =	sadd.f32 $9.999999970e-07, s15;
	[tilespmem:v0+s26+$0x30 ss:$0x1] =	vst.idx.msk $0xffff, v47;
	v46 =	vmul.f32 v59, v46;
	v52 =	vld [tilespmem:$0x1C20];
	v62 =	vmul.f32 s12, v53;
	v63, _, _ =	vpop (xrf2)  }
0xc1: {  	s17 =	sshll.u32 s23, $0xE;
	s16 =	simm.s32 $0x1200;
	v58 =	vmul.f32 v32, v32;
	v48 =	vld.idx.msk [tilespmem:v0+s13+$0x10 ss:$0x1], $0xffff;
	v57 =	vadd.f32 v61, v60;
	(v2sf) =	vpush v63, $0xF  }
0xc2: {  	s12 =	sor.u32 $0x1C80, s17;
	v50 =	vld [tilespmem:$0x1C40];
	v56 =	vmul.f32 s14, v54;
	s17 =	sshrl.u32 s15, $0x1;
	s15 =	smul.f32 $5.000000000e-01, s15;
	[tilespmem:v0+s25+$0x50 ss:$0x1] =	vst.idx.msk $0xffff, v46;
	v41 =	vmul.f32 v62, v41  }
.LBB2_3:
0xc3: {  	v47 =	vadd.f32 v58, v57;
	v51 =	vmul.f32 v37, v37;
	v54 =	vmovc v6;
	v6 =	vmovc v10;
	v10 =	vmov v13  }
0xc4: {  	p0 =	sne.s32 s16, $0xFE00;
	s18 =	ssub.s32 $0x5F3759DF, s17;
	v53 =	vld [tilespmem:$0x1C60];
	v13 =	vmovc v19;
	v19 =	vmovc v27;
	v27 =	vmov v40;
	v46 =	vmov v1;
	v1 =	vmov v2;
	s17 =	smov.u32 s14  }
0xc5: {  	v2 =	vmovc v5;
	v5 =	vmov v9;
	s14 =	smul.f32 s18, s15;
	v40 =	vmul.f32 v56, v28;
	v52 =	vmul.f32 s10, v52;
	[tilespmem:v0+s24+$0x70 ss:$0x1] =	vst.idx.msk $0xffff, v41;
	s24 =	smov.u32 s25;
	s25 =	smov.u32 s26  }
0xc6: {  	v9 =	vmovc v14;
	v14 =	vmovc v21;
	v21 =	vmov v37;
	v28 =	vmov v34;
	s26 =	smov.u32 s28;
	s28 =	smov.u32 s29;
	s29 =	smov.u32 s30;
	v41 =	vld.idx.msk [tilespmem:v0+s13+$0x20 ss:$0x1], $0xffff;
	v47 =	vadd.f32 v51, v47  }
0xc7: {  	s30 =	smov.u32 s2;
	s2 =	smov.u32 s3;
	v51 =	vld.idx.msk [tilespmem:v0+s13+$0x30 ss:$0x1], $0xffff;
	s14 =	smul.f32 s18, s14;
	[tilespmem:v0+s28+$0x0 ss:$0x1] =	vst.idx.msk $0xffff, v40;
	v37 =	vmul.f32 v52, v18;
	v40 =	vmul.f32 s0, v50;
	v18 =	vmov v22  }
0xc8: {  	v34 =	vmovc v43;
	s3 =	smov.u32 s13;
	v22 =	vmov v29;
	v29 =	vmov v35;
	v35 =	vmov v44;
	(xrf2) =	vadd.scan.msk.f32 $0xffff, v47;
	v47 =	vld [tilespmem:$0x1C10]  }
0xc9: {  	v50 =	vld.idx.msk [tilespmem:v0+s3+$0x40 ss:$0x1], $0xffff;
	s13 =	ssub.f32 $1.500000000e+00, s14;
	[tilespmem:v0+s26+$0x20 ss:$0x1] =	vst.idx.msk $0xffff, v37;
	v37 =	vmul.f32 v40, v8;
	v43 =	vmul.f32 s31, v53;
	v8 =	vmov v12  }
0xca: {  	v55 =	vmul.f32 v49, v49;
	v52 =	vmul.f32 v48, v48;
	v12 =	vmovc v17;
	v17 =	vmovc v23;
	v23 =	vmov v31;
	v53 =	vld [tilespmem:$0x1C30]  }
0xcb: {  	v31 =	vmov v38;
	v40 =	vld.idx.msk [tilespmem:v0+s3+$0x50 ss:$0x1], $0xffff;
	s14 =	smul.f32 s18, s13;
	[tilespmem:v0+s25+$0x40 ss:$0x1] =	vst.idx.msk $0xffff, v37;
	v37 =	vmul.f32 v43, v3;
	v3 =	vmov v4  }
0xcc: {  	v57 =	vadd.f32 v52, v55;
	v56 =	vmul.f32 v41, v41;
	v44 =	vmovc v41;
	v4 =	vmovc v7;
	v7 =	vmov v11;
	v52 =	vld [tilespmem:$0x1C50]  }
0xcd: {  	v11 =	vmovc v16;
	v16 =	vmov v24;
	v24 =	vmov v32;
	s13 =	smul.f32 s14, s15;
	v41 =	vmul.f32 s17, v47;
	[tilespmem:v0+s24+$0x60 ss:$0x1] =	vst.idx.msk $0xffff, v37;
	v32 =	vld.idx.msk [tilespmem:v0+s3+$0x60 ss:$0x1], $0xffff  }
0xce: {  	v37 =	vadd.f32 v56, v57;
	v47 =	vmul.f32 v51, v51;
	v43 =	vmovc v45;
	v45 =	vmov v49;
	v55 =	vld [tilespmem:$0x1C70]  }
0xcf: {  	v38 =	vmovc v50;
	s13 =	smul.f32 s13, s14;
	v56 =	vld [tilespmem:$0x1C00];
	v41 =	vmul.f32 v41, v25;
	v49 =	vmul.f32 s10, v53;
	v25 =	vmovc v30;
	v30 =	vmov v36  }
0xd0: {  	s15 =	spop (v2sf)  }
0xd1: {  	v47 =	vadd.f32 v47, v37;
	v50 =	vmul.f32 v50, v38;
	v36 =	vmovc v42;
	v42 =	vmov v48;
	v37 =	vld.idx.msk [tilespmem:v0+s3+$0x70 ss:$0x1], $0xffff;
	s15 =	smul.f32 $7.812500000e-03, s15  }
.Ltmp4:
0xd2: {  	s18 =	ssub.f32 $1.500000000e+00, s13;
	[tilespmem:v0+s28+$0x10 ss:$0x1] =	vst.idx.msk $0xffff, v41;
	v41 =	vmul.f32 v49, v15;
	v48 =	vmul.f32 s0, v52;
	(pc) =	sbr.rel @p0 .LBB2_3-.Ltmp4, $4  }
0xd3: {  	s13 =	sshra.s32 s16, $0x2;
	v47 =	vadd.f32 v50, v47;
	v50 =	vmul.f32 v40, v40;
	v15 =	vmov v20;
	v53, _, _ =	vpop (xrf2);
	v52 =	vld [tilespmem:$0x1C20]  }
0xd4: {  	v49 =	vld.idx.msk [tilespmem:v0+s13+$0x0 ss:$0x1], $0xffff;
	(v2sf) =	vpush v53, $0xF;
	s15 =	sadd.f32 $9.999999970e-07, s15;
	s14 =	smul.f32 s18, s14;
	[tilespmem:v0+s26+$0x30 ss:$0x1] =	vst.idx.msk $0xffff, v41;
	v41 =	vmul.f32 v48, v54;
	v53 =	vmul.f32 s31, v55;
	s31 =	smov.u32 s0  }
0xd5: {  	v20 =	vmovc v26;
	v26 =	vmovc v33;
	v33 =	vmov v39;
	v58 =	vmul.f32 v32, v32;
	v57 =	vadd.f32 v50, v47;
	s0 =	smov.u32 s10;
	s10 =	smov.u32 s17;
	v50 =	vld [tilespmem:$0x1C40]  }
0xd6: {  	s16 =	sadd.s32 $0x200, s16;
	v39 =	vmov v51;
	v48 =	vld.idx.msk [tilespmem:v0+s13+$0x10 ss:$0x1], $0xffff;
	s17 =	sshrl.u32 s15, $0x1;
	s15 =	smul.f32 $5.000000000e-01, s15;
	v56 =	vmul.f32 s14, v56;
	[tilespmem:v0+s25+$0x50 ss:$0x1] =	vst.idx.msk $0xffff, v41;
	v41 =	vmul.f32 v53, v46  }
0xd7: {  	_ =	sdelay $0x3  }
0xd8: {  	v55 =	vld.idx.msk [tilespmem:v0+s13+$0x20 ss:$0x1], $0xffff;
	_ =	sdelay $0x1  }
0xd9: {  	v54 =	vld.idx.msk [tilespmem:v0+s13+$0x30 ss:$0x1], $0xffff  }
0xda: {  	v46 =	vmul.f32 v49, v49;
	v47 =	vmul.f32 v48, v48  }
0xdb: {  	v53 =	vld.idx.msk [tilespmem:v0+s13+$0x40 ss:$0x1], $0xffff  }
0xdc: {  	v62 =	vmul.f32 v55, v55;
	v46 =	vadd.f32 v47, v46  }
0xdd: {  	v51 =	vld.idx.msk [tilespmem:v0+s13+$0x50 ss:$0x1], $0xffff  }
0xde: {  	v59 =	vmul.f32 v54, v54;
	v46 =	vadd.f32 v62, v46  }
0xdf: {  	v57 =	vadd.f32 v58, v57;
	v58 =	vmul.f32 v37, v37;
	v47 =	vld.idx.msk [tilespmem:v0+s13+$0x60 ss:$0x1], $0xffff  }
0xe0: {  	v60 =	vmul.f32 v53, v53;
	v59 =	vadd.f32 v59, v46  }
0xe1: {  	v57 =	vadd.f32 v58, v57;
	v46 =	vld.idx.msk [tilespmem:v0+s13+$0x70 ss:$0x1], $0xffff  }
0xe2: {  	v59 =	vadd.f32 v60, v59;
	v60 =	vmul.f32 v51, v51  }
0xe3: {  	(xrf2) =	vadd.scan.msk.f32 $0xffff, v57  }
0xe4: {  	v59 =	vadd.f32 v60, v59;
	v60 =	vmul.f32 v47, v47;
	_ =	sdelay $0x1  }
0xe5: {  	v59 =	vadd.f32 v60, v59;
	v60 =	vmul.f32 v46, v46;
	_ =	sdelay $0x1  }
0xe6: {  	v63 =	vadd.f32 v60, v59;
	_ =	sdelay $0x1  }
0xe7: {  	(xrf2) =	vadd.scan.msk.f32 $0xffff, v63;
	_ =	sdelay $0x2  }
0xe8: {  	v57, _, _ =	vpop (xrf2)  }
0xe9: {  	(v2sf) =	vpush v57, $0xF;
	_ =	sdelay $0x5  }
0xea: {  	v60, _, _ =	vpop (xrf2)  }
0xeb: {  	(v2sf) =	vpush v60, $0xF;
	_ =	sdelay $0x4  }
0xec: {  	s16 =	spop (v2sf)  }
0xed: {  	s17 =	ssub.s32 $0x5F3759DF, s17;
	s16 =	smul.f32 $7.812500000e-03, s16  }
0xee: {  	s6 =	smul.f32 s17, s15  }
0xef: {  	s16 =	sadd.f32 $9.999999970e-07, s16;
	s8 =	spop (v2sf)  }
0xf0: {  	s8 =	smul.f32 $7.812500000e-03, s8  }
0xf1: {  	s18 =	sshrl.u32 s16, $0x1;
	s16 =	smul.f32 $5.000000000e-01, s16  }
0xf2: {  	s6 =	smul.f32 s17, s6;
	s18 =	ssub.s32 $0x5F3759DF, s18;
	s8 =	sadd.f32 $9.999999970e-07, s8  }
0xf3: {  	s19 =	smul.f32 s18, s16  }
0xf4: {  	s20 =	sshrl.u32 s8, $0x1;
	s8 =	smul.f32 $5.000000000e-01, s8  }
0xf5: {  	s19 =	smul.f32 s18, s19;
	s20 =	ssub.s32 $0x5F3759DF, s20  }
0xf6: {  	s11 =	smul.f32 s20, s8;
	s9 =	spop (v2sf)  }
0xf7: {  	s6 =	ssub.f32 $1.500000000e+00, s6;
	s9 =	smul.f32 $7.812500000e-03, s9  }
0xf8: {  	s19 =	ssub.f32 $1.500000000e+00, s19;
	s11 =	smul.f32 s20, s11  }
0xf9: {  	s6 =	smul.f32 s17, s6;
	s9 =	sadd.f32 $9.999999970e-07, s9  }
0xfa: {  	s17 =	smul.f32 s18, s19;
	s11 =	ssub.f32 $1.500000000e+00, s11  }
0xfb: {  	s1 =	sshrl.u32 s9, $0x1;
	s9 =	smul.f32 $5.000000000e-01, s9  }
0xfc: {  	s11 =	smul.f32 s20, s11;
	s1 =	ssub.s32 $0x5F3759DF, s1  }
0xfd: {  	s4 =	smul.f32 s1, s9  }
0xfe: {  	s20 =	smul.f32 s17, s16  }
0xff: {  	s4 =	smul.f32 s1, s4  }
0x100: {  	s19 =	smul.f32 s6, s15  }
0x101: {  	s15 =	smul.f32 s20, s17;
	s4 =	ssub.f32 $1.500000000e+00, s4  }
0x102: {  	s8 =	smul.f32 s11, s8  }
0x103: {  	s1 =	smul.f32 s1, s4  }
0x104: {  	s8 =	smul.f32 s8, s11  }
0x105: {  	v58 =	vld [tilespmem:$0x1C00];
	s9 =	smul.f32 s1, s9  }
0x106: {  	v59 =	vld [tilespmem:$0x1C00];
	s15 =	ssub.f32 $1.500000000e+00, s15;
	s4 =	smul.f32 s19, s6  }
0x107: {  	v57 =	vld [tilespmem:$0x1C00];
	s8 =	ssub.f32 $1.500000000e+00, s8;
	s9 =	smul.f32 s9, s1  }
0x108: {  	v60 =	vld [tilespmem:$0x1C00];
	s17 =	smul.f32 s15, s17;
	s4 =	ssub.f32 $1.500000000e+00, s4  }
0x109: {  	s19 =	smul.f32 s8, s11;
	s16 =	ssub.f32 $1.500000000e+00, s9  }
0x10a: {  	v28 =	vmul.f32 v56, v28;
	v61 =	vmul.f32 s17, v58;
	s18 =	smul.f32 s4, s6  }
0x10b: {  	v62 =	vmul.f32 s19, v59;
	s20 =	smul.f32 s16, s1  }
0x10c: {  	[tilespmem:v0+s29+$0x0 ss:$0x1] =	vst.idx.msk $0xffff, v28;
	v63 =	vmul.f32 v61, v43;
	v57 =	vmul.f32 s18, v57  }
0x10d: {  	v59 =	vld [tilespmem:$0x1C10];
	v58 =	vmul.f32 v62, v45;
	v56 =	vmul.f32 s20, v60  }
0x10e: {  	[tilespmem:v0+s2+$0x0 ss:$0x1] =	vst.idx.msk $0xffff, v63;
	v34 =	vmul.f32 v57, v34  }
0x10f: {  	v61 =	vld [tilespmem:$0x1C10];
	[tilespmem:v0+s3+$0x0 ss:$0x1] =	vst.idx.msk $0xffff, v58;
	v43 =	vmul.f32 v56, v49  }
0x110: {  	[tilespmem:v0+s30+$0x0 ss:$0x1] =	vst.idx.msk $0xffff, v34;
	v34 =	vld [tilespmem:$0x1C10]  }
0x111: {  	v60 =	vld [tilespmem:$0x1C10];
	[tilespmem:v0+s13+$0x0 ss:$0x1] =	vst.idx.msk $0xffff, v43  }
0x112: {  	v45 =	vmul.f32 s14, v59;
	v43 =	vld [tilespmem:$0x1C10];
	_ =	sdelay $0x1  }
0x113: {  	v62 =	vmul.f32 s17, v61;
	v25 =	vmul.f32 v45, v25  }
0x114: {  	v63 =	vmul.f32 s19, v34  }
0x115: {  	[tilespmem:v0+s29+$0x10 ss:$0x1] =	vst.idx.msk $0xffff, v25;
	v49 =	vmul.f32 v62, v36;
	v28 =	vmul.f32 s18, v60  }
0x116: {  	v57 =	vld [tilespmem:$0x1C20];
	v58 =	vmul.f32 v63, v42;
	v56 =	vmul.f32 s20, v43  }
0x117: {  	[tilespmem:v0+s2+$0x10 ss:$0x1] =	vst.idx.msk $0xffff, v49;
	v28 =	vmul.f32 v28, v30  }
0x118: {  	v61 =	vld [tilespmem:$0x1C20];
	[tilespmem:v0+s3+$0x10 ss:$0x1] =	vst.idx.msk $0xffff, v58;
	v60 =	vmul.f32 v56, v48  }
0x119: {  	[tilespmem:v0+s30+$0x10 ss:$0x1] =	vst.idx.msk $0xffff, v28;
	v28 =	vld [tilespmem:$0x1C20]  }
0x11a: {  	v59 =	vld [tilespmem:$0x1C20];
	[tilespmem:v0+s13+$0x10 ss:$0x1] =	vst.idx.msk $0xffff, v60  }
0x11b: {  	v36 =	vmul.f32 s14, v57;
	v63 =	vld [tilespmem:$0x1C20]  }
0x11c: {  	v62 =	vmul.f32 s10, v52  }
0x11d: {  	v22 =	vmul.f32 v36, v22;
	v45 =	vmul.f32 s17, v61  }
0x11e: {  	v18 =	vmul.f32 v62, v18;
	v49 =	vmul.f32 s19, v28  }
0x11f: {  	[tilespmem:v0+s29+$0x20 ss:$0x1] =	vst.idx.msk $0xffff, v22;
	v56 =	vmul.f32 v45, v35;
	v43 =	vmul.f32 s18, v59  }
0x120: {  	[tilespmem:v0+s28+$0x20 ss:$0x1] =	vst.idx.msk $0xffff, v18;
	v58 =	vld [tilespmem:$0x1C30];
	v59 =	vmul.f32 v49, v44;
	v57 =	vmul.f32 s20, v63  }
0x121: {  	v52 =	vld [tilespmem:$0x1C30];
	[tilespmem:v0+s2+$0x20 ss:$0x1] =	vst.idx.msk $0xffff, v56;
	v48 =	vmul.f32 v43, v29  }
0x122: {  	v62 =	vld [tilespmem:$0x1C30];
	[tilespmem:v0+s3+$0x20 ss:$0x1] =	vst.idx.msk $0xffff, v59;
	v61 =	vmul.f32 v57, v55  }
0x123: {  	[tilespmem:v0+s30+$0x20 ss:$0x1] =	vst.idx.msk $0xffff, v48;
	v18 =	vld [tilespmem:$0x1C30]  }
0x124: {  	v60 =	vld [tilespmem:$0x1C30];
	[tilespmem:v0+s13+$0x20 ss:$0x1] =	vst.idx.msk $0xffff, v61  }
0x125: {  	v30 =	vmul.f32 s14, v58;
	v34 =	vld [tilespmem:$0x1C30]  }
0x126: {  	v63 =	vmul.f32 s10, v52  }
0x127: {  	v20 =	vmul.f32 v30, v20;
	v36 =	vmul.f32 s17, v62  }
0x128: {  	v15 =	vmul.f32 v63, v15;
	v18 =	vmul.f32 s19, v18  }
0x129: {  	[tilespmem:v0+s29+$0x30 ss:$0x1] =	vst.idx.msk $0xffff, v20;
	v44 =	vmul.f32 v36, v33;
	v35 =	vmul.f32 s18, v60  }
0x12a: {  	v48 =	vld [tilespmem:$0x1C40];
	[tilespmem:v0+s28+$0x30 ss:$0x1] =	vst.idx.msk $0xffff, v15;
	v49 =	vmul.f32 v18, v39;
	v45 =	vmul.f32 s20, v34  }
0x12b: {  	[tilespmem:v0+s2+$0x30 ss:$0x1] =	vst.idx.msk $0xffff, v44;
	v43 =	vld [tilespmem:$0x1C40];
	v42 =	vmul.f32 v35, v26  }
0x12c: {  	v56 =	vld [tilespmem:$0x1C40];
	[tilespmem:v0+s3+$0x30 ss:$0x1] =	vst.idx.msk $0xffff, v49;
	v55 =	vmul.f32 v45, v54  }
0x12d: {  	[tilespmem:v0+s30+$0x30 ss:$0x1] =	vst.idx.msk $0xffff, v42;
	v58 =	vld [tilespmem:$0x1C40]  }
0x12e: {  	v57 =	vmul.f32 s0, v50;
	v52 =	vld [tilespmem:$0x1C40];
	[tilespmem:v0+s13+$0x30 ss:$0x1] =	vst.idx.msk $0xffff, v55  }
0x12f: {  	v61 =	vmul.f32 s14, v48;
	v60 =	vld [tilespmem:$0x1C40]  }
0x130: {  	v8 =	vmul.f32 v57, v8;
	v59 =	vmul.f32 s10, v43  }
0x131: {  	v62 =	vmul.f32 v61, v17;
	v63 =	vmul.f32 s17, v56  }
0x132: {  	[tilespmem:v0+s26+$0x40 ss:$0x1] =	vst.idx.msk $0xffff, v8;
	v12 =	vmul.f32 v59, v12;
	v28 =	vmul.f32 s19, v58  }
0x133: {  	v25 =	vld [tilespmem:$0x1C50];
	[tilespmem:v0+s29+$0x40 ss:$0x1] =	vst.idx.msk $0xffff, v62;
	v30 =	vmul.f32 v63, v31;
	v18 =	vmul.f32 s18, v52  }
0x134: {  	v33 =	vld [tilespmem:$0x1C50];
	[tilespmem:v0+s28+$0x40 ss:$0x1] =	vst.idx.msk $0xffff, v12;
	v34 =	vmul.f32 v28, v38;
	v31 =	vmul.f32 s20, v60  }
0x135: {  	[tilespmem:v0+s2+$0x40 ss:$0x1] =	vst.idx.msk $0xffff, v30;
	v29 =	vld [tilespmem:$0x1C50];
	v26 =	vmul.f32 v18, v23  }
0x136: {  	v38 =	vld [tilespmem:$0x1C50];
	[tilespmem:v0+s3+$0x40 ss:$0x1] =	vst.idx.msk $0xffff, v34;
	v36 =	vmul.f32 v31, v53  }
0x137: {  	[tilespmem:v0+s30+$0x40 ss:$0x1] =	vst.idx.msk $0xffff, v26;
	v42 =	vld [tilespmem:$0x1C50]  }
0x138: {  	v39 =	vmul.f32 s0, v25;
	v35 =	vld [tilespmem:$0x1C50];
	[tilespmem:v0+s13+$0x40 ss:$0x1] =	vst.idx.msk $0xffff, v36  }
0x139: {  	v45 =	vmul.f32 s14, v33;
	v44 =	vld [tilespmem:$0x1C50]  }
0x13a: {  	v6 =	vmul.f32 v39, v6;
	v43 =	vmul.f32 s10, v29  }
0x13b: {  	v50 =	vmul.f32 v45, v13;
	v52 =	vmul.f32 s17, v38  }
0x13c: {  	v49 =	vld [tilespmem:$0x1C60];
	[tilespmem:v0+s26+$0x50 ss:$0x1] =	vst.idx.msk $0xffff, v6;
	v8 =	vmul.f32 v43, v10;
	v55 =	vmul.f32 s19, v42  }
0x13d: {  	[tilespmem:v0+s29+$0x50 ss:$0x1] =	vst.idx.msk $0xffff, v50;
	v53 =	vld [tilespmem:$0x1C60];
	v57 =	vmul.f32 v52, v27;
	v48 =	vmul.f32 s18, v35  }
0x13e: {  	v59 =	vld [tilespmem:$0x1C60];
	[tilespmem:v0+s28+$0x50 ss:$0x1] =	vst.idx.msk $0xffff, v8;
	v60 =	vmul.f32 v55, v40;
	v58 =	vmul.f32 s20, v44  }
0x13f: {  	v56 =	vld [tilespmem:$0x1C60];
	[tilespmem:v0+s2+$0x50 ss:$0x1] =	vst.idx.msk $0xffff, v57;
	v54 =	vmul.f32 v48, v19  }
0x140: {  	v22 =	vld [tilespmem:$0x1C60];
	[tilespmem:v0+s3+$0x50 ss:$0x1] =	vst.idx.msk $0xffff, v60;
	v62 =	vmul.f32 v58, v51  }
0x141: {  	v63 =	vmul.f32 s31, v49;
	[tilespmem:v0+s30+$0x50 ss:$0x1] =	vst.idx.msk $0xffff, v54;
	v25 =	vld [tilespmem:$0x1C60]  }
0x142: {  	v23 =	vmul.f32 s0, v53;
	v61 =	vld [tilespmem:$0x1C60];
	[tilespmem:v0+s13+$0x50 ss:$0x1] =	vst.idx.msk $0xffff, v62  }
0x143: {  	v3 =	vmul.f32 v63, v3;
	v28 =	vmul.f32 s14, v59;
	v27 =	vld [tilespmem:$0x1C60]  }
0x144: {  	v4 =	vmul.f32 v23, v4;
	v26 =	vmul.f32 s10, v56  }
0x145: {  	[tilespmem:v0+s25+$0x60 ss:$0x1] =	vst.idx.msk $0xffff, v3;
	v33 =	vmul.f32 v28, v11;
	v34 =	vmul.f32 s17, v22  }
0x146: {  	v31 =	vld [tilespmem:$0x1C70];
	[tilespmem:v0+s26+$0x60 ss:$0x1] =	vst.idx.msk $0xffff, v4;
	v29 =	vmul.f32 v26, v7;
	v38 =	vmul.f32 s19, v25  }
0x147: {  	[tilespmem:v0+s29+$0x60 ss:$0x1] =	vst.idx.msk $0xffff, v33;
	v35 =	vld [tilespmem:$0x1C70];
	v40 =	vmul.f32 v34, v24;
	v30 =	vmul.f32 s18, v61  }
0x148: {  	v43 =	vld [tilespmem:$0x1C70];
	[tilespmem:v0+s28+$0x60 ss:$0x1] =	vst.idx.msk $0xffff, v29;
	v44 =	vmul.f32 v38, v32;
	v42 =	vmul.f32 s20, v27  }
0x149: {  	v39 =	vld [tilespmem:$0x1C70];
	[tilespmem:v0+s2+$0x60 ss:$0x1] =	vst.idx.msk $0xffff, v40;
	v36 =	vmul.f32 v30, v16  }
0x14a: {  	v48 =	vld [tilespmem:$0x1C70];
	[tilespmem:v0+s3+$0x60 ss:$0x1] =	vst.idx.msk $0xffff, v44;
	v47 =	vmul.f32 v42, v47  }
0x14b: {  	v7 =	vmul.f32 s31, v31;
	[tilespmem:v0+s30+$0x60 ss:$0x1] =	vst.idx.msk $0xffff, v36;
	v50 =	vld [tilespmem:$0x1C70]  }
0x14c: {  	v49 =	vmul.f32 s0, v35;
	v45 =	vld [tilespmem:$0x1C70];
	[tilespmem:v0+s13+$0x60 ss:$0x1] =	vst.idx.msk $0xffff, v47  }
0x14d: {  	v1 =	vmul.f32 v7, v1;
	v53 =	vmul.f32 s14, v43;
	v52 =	vld [tilespmem:$0x1C70]  }
0x14e: {  	[tilespmem:v0+s24+$0x70 ss:$0x1] =	vst.idx.msk $0xffff, v41;
	v2 =	vmul.f32 v49, v2;
	v51 =	vmul.f32 s10, v39  }
0x14f: {  	[tilespmem:v0+s25+$0x70 ss:$0x1] =	vst.idx.msk $0xffff, v1;
	v56 =	vmul.f32 v53, v9;
	v57 =	vmul.f32 s17, v48  }
0x150: {  	[tilespmem:v0+s26+$0x70 ss:$0x1] =	vst.idx.msk $0xffff, v2;
	v54 =	vmul.f32 v51, v5;
	v59 =	vmul.f32 s19, v50  }
0x151: {  	p0 =	seq.s32 s22, $0x0;
	[tilespmem:v0+s29+$0x70 ss:$0x1] =	vst.idx.msk $0xffff, v56;
	v60 =	vmul.f32 v57, v21;
	v55 =	vmul.f32 s18, v45  }
0x152: {  	s0 =	sadd.s32 @!p0 $0x5, s22;
	[tilespmem:v0+s28+$0x70 ss:$0x1] =	vst.idx.msk $0xffff, v54;
	v62 =	vmul.f32 v59, v37;
	v61 =	vmul.f32 s20, v52  }
0x153: {  	p1 =	sgt.u32 @!p0 s22, $0x2C;
	s4 =	smulhi.u32 @!p0 $0xAAAAAAAB, s0;
	s29 =	sshll.u32 s22, $0xE;
	[tilespmem:v0+s2+$0x70 ss:$0x1] =	vst.idx.msk $0xffff, v60;
	v58 =	vmul.f32 v55, v14  }
0x154: {  	p1 =	por p0, !p1;
	s1 =	sadd.s32 s7, s29;
	[tilespmem:v0+s3+$0x70 ss:$0x1] =	vst.idx.msk $0xffff, v62;
	v63 =	vmul.f32 v61, v46  }
0x155: {  	s31 =	rddreg [dreg:$0x3];
	s1 =	sshrl.u32 s1, $0x3;
	s2 =	sshrl.u32 @!p0 s4, $0x2;
	[tilespmem:v0+s30+$0x70 ss:$0x1] =	vst.idx.msk $0xffff, v58  }
0x156: {  	s1 =	sadd.s32 s31, s1;
	s2 =	smul.u32 @!p0 $0x6, s2;
	s30 =	sadd.s32 $0x7, s23;
	[tilespmem:v0+s13+$0x70 ss:$0x1] =	vst.idx.msk $0xffff, v63  }
0x157: {  	[hbm4b:s1+s5] =	stream.linear.scatter [tilespmem:s12], [sflag:s30], $0x4000, $0x38;
	[tilespmem:$0x19C80] =	vst v63  }
.Ltmp5:
0x158: {  	s1 =	ssub.s32 @!p0 s0, s2;
	(pc) =	sbr.rel @!p1 .LBB2_6-.Ltmp5, $4  }
0x159: {  	s1 =	sadd.s32 @!p0 $0x7, s1  }
0x15a: {  	_ =	swait.ge @!p0 [sflag:s1], $0x4000  }
0x15b: {  	[sflag:s1] =	ssyncset.done @!p0 $0x0  }
0x15c: {  	[sflag:s1] =	ssyncadd.s32 @!p0 $0xFFFFC000  }
0x15d: {  	s0 =	simm.s32 @p0 $0x5  }
0x15e: {  	s1 =	smul.u32 $0xAB, s0;
	_ =	sdelay $0x1  }
0x15f: {  	s1 =	sshrl.u32 s1, $0xA  }
0x160: {  	s1 =	sand.u32 $0x3F, s1  }
0x161: {  	s1 =	smul.u32 $0x6, s1;
	_ =	sdelay $0x1  }
.Ltmp6:
0x162: {  	s1 =	ssub.s32 s0, s1;
	(pc) =	sbr.rel .LBB2_6-.Ltmp6, $4  }
0x163: {  	s3 =	rddreg [dreg:$0x0];
	s1 =	sand.u32 $0xFF, s1  }
0x164: {  	s4 =	simm.s32 $0x80;
	s0 =	sshll.u32 s0, $0x7;
	s2 =	sshll.u32 s1, $0xE  }
0x165: {  	s0 =	sand.u32 $0x3FFFFF80, s0;
	s1 =	sadd.s32 $0x1, s1;
	s2 =	sor.u32 $0x1C80, s2  }
0x166: {  	[tilespmem:s2], [sflag:s1] =	stream.indirect.gather [hbm4b:s3+s4], $0x80, s0, s4, $0xb8;
	[tilespmem:$0x19C80] =	vst v63  }
.LBB2_8:
0x167: {  	_ =	sfence.sel $0x180000  }
0x168: {  	[bflag:$0x0] =	sbarrier.arrive $0xFFFF  }
0x169: {  	_ =	strace $0x90000047  }
0x16a: {  	s0 =	stileid.u32;
	[bflag:$0x2] =	sbarrier.arrive $0xFFFF  }
0x16b: {  	p0 =	sne.s32 s0, $0x0;
	s0 =	rddreg [dreg:$0x4]  }
0x16c: {  	s0 =	sadd.s32 @!p0 $0x100000, s0  }
0x16d: {  	[sflag:s0] =	ssyncadd.tile.s32 @!p0 $0x1;
	_ =	shalt  }
.Lfunc_end2:
_tile_overlayer_lowered:
.L_overlay_start_2:
0x16e: {  	(tag) =	ssettag $0x2  }
0x16f: {  	s0 =	rddreg [dreg:$0x0];
	s2 =	stileid.u32  }
0x170: {  	s1 =	rddreg [dreg:$0x1];
	p0 =	sne.s32 s2, $0x0  }
0x171: {  	s3 =	rddreg [dreg:$0x2];
	[bflag:$0x3] =	sbarrier.arrive $0xFFFF;
	s2 =	simm.s32 @!p0 $0x1C0D  }
0x172: {  	[timem:s3], [sflag:s2] =	dma.local @!p0 [hbm:s0], s1  }
0x173: {  	s0 =	simm.s32 @!p0 $0xD  }
0x174: {  	_ =	swait.ge @!p0 [sflag:s0], s1  }
0x175: {  	s1 =	ssub.s32 @!p0 $0x0, s1;
	[sflag:s0] =	ssyncset.done @!p0 $0x0  }
0x176: {  	[sflag:s0] =	ssyncadd.s32 @!p0 s1  }
0x177: {  	[bflag:$0x3] =	sbarrier.arrive $0xFFFF  }
0x178: {  	_ =	shalt  }

// kernel: branch_1_fun.3.cloned.1.call-start
scs
__scs_entry_jumppad:
0x0: {  	(pc) =	sbr.rel $0x88, $3  }
0x1: {  	(tag) =	ssettag $0x0;
	lr =	simm.s32 $0x1  }
0x2: {  	[smem:$0x3F9E] =	sst lr;
	_ =	strace $0xD0000000  }
0x3: {  	_ = 	snop  }
0x4: {  	_ = 	snop  }
0x5: {  	_ = 	snop  }
0x6: {  	_ = 	snop  }
0x7: {  	_ = 	snop  }
__scs_overlays_trampoline_lowered:
0x8: {  	[smem:$0x3FAD] =	sst s0  }
0x9: {  	[smem:$0x3FAE] =	sst s1  }
0xa: {  	[smem:$0x3FAF] =	sst s2  }
0xb: {  	[smem:$0x3FB0] =	sst s3  }
0xc: {  	[smem:$0x3FB1] =	sst s4  }
0xd: {  	[smem:$0x3FB2] =	sst s5  }
0xe: {  	[smem:$0x3FB3] =	sst s6  }
0xf: {  	[smem:$0x3FB4] =	sst s7  }
0x10: {  	[smem:$0x3FB5] =	sst s8  }
0x11: {  	[smem:$0x3FB6] =	sst s9;
	s0 =	simm.s32 @!p0 $0x0  }
0x12: {  	s1 =	sld [smem:$0x3F9C];
	s0 =	simm.s32 @p0 $0x1  }
0x13: {  	[smem:$0x3FB7] =	sst s0;
	s0 =	simm.s32 @!p1 $0x0  }
0x14: {  	s2 =	sld [smem:$0x3F9B];
	s0 =	simm.s32 @p1 $0x1  }
0x15: {  	[smem:$0x3FB8] =	sst s0;
	s0 =	simm.s32 @!p2 $0x0  }
0x16: {  	s3 =	sld [smem:$0x3FDB];
	s0 =	simm.s32 @p2 $0x1  }
0x17: {  	s4 =	simm.s32 $0x1BF5;
	[smem:$0x3FBA] =	sst s0  }
0x18: {  	s0 =	sld [smem:$0x3F9D];
	_ =	swait.ge [sflag:s4], $0x0  }
0x19: {  	s7 =	sld [smem:$0x3F9E]  }
0x1a: {  	s8 =	sadd.s32 $0xFFFFE003, lr  }
0x1b: {  	s9 =	sadd.s32 $0xFFFFFEF7, lr;
	s5 =	simm.s32 $0xFFFFFFFF;
	p2 =	slt.u32 s8, $0xFFFFF086  }
0x1c: {  	p1 =	slt.u32 s9, $0xF7A;
	s5 =	simm.s32 @!p2 $0x0  }
0x1d: {  	s5 =	simm.s32 @p1 $0x1;
	p0 =	seq.s32 s7, s2  }
0x1e: {  	s7 =	smul.u32 @!p0 $0xF7A, s2;
	p2 =	seq.s32 @!p0 s5, $0x0  }
0x1f: {  	s9 =	smul.u32 $0xF7A, s1;
	s8 =	simm.s32 @!p0 $0x1BF5;
	p2 =	por !p2, p0  }
0x20: {  	[sflag:s8] =	ssyncset.s32 @!p0 $0xFFFFF086;
	s6 =	sadd.s32 @!p0 s3, s7;
	s7 =	simm.s32 @!p0 $0x108  }
0x21: {  	s3 =	sadd.s32 s3, s9;
	s6 =	sadd.s32 @!p0 $0x88, s6;
	s7 =	simm.s32 @p2 $0x1082  }
0x22: {  	[simem:s7], [sflag:s8] =	dma.local @!p0 [hbm:s6], $0xF7A  }
0x23: {  	s9 =	sor.u32 $0xD0000000, s2;
	s6 =	simm.s32 $0x108;
	_ =	swait.ge @!p0 [sflag:s8], $0x0  }
0x24: {  	s3 =	sadd.s32 $0x88, s3;
	s6 =	simm.s32 @!p1 $0x1082;
	[sflag:s4] =	ssyncset.s32 $0xFFFFF086  }
0x25: {  	[simem:s6], [sflag:s4] =	dma.local [hbm:s3], $0xF7A  }
0x26: {  	[smem:$0x3F9E] =	sst s1;
	(tag) =	ssettag s2;
	_ =	strace s9  }
0x27: {  	s1 =	sld [smem:$0x3FAE]  }
0x28: {  	s2 =	sld [smem:$0x3FAF]  }
0x29: {  	s4 =	sld [smem:$0x3FB1]  }
0x2a: {  	p0 =	seq.s32 s5, $0x0;
	s5 =	sld [smem:$0x3FB2]  }
0x2b: {  	s6 =	sld [smem:$0x3FB3]  }
0x2c: {  	s7 =	sld [smem:$0x3FB4]  }
0x2d: {  	s3 =	simm.s32 $0x108;
	s8 =	sld [smem:$0x3FB5]  }
0x2e: {  	s3 =	simm.s32 @!p0 $0x1082;
	s9 =	sld [smem:$0x3FB6]  }
0x2f: {  	lr =	sadd.s32 s0, s3;
	s0 =	sld [smem:$0x3FAD]  }
0x30: {  	s3 =	sld [smem:$0x3FB0]  }
0x31: {  	[smem:$0x3FB9] =	sst s10  }
0x32: {  	s10 =	sld [smem:$0x3FB7];
	_ =	sdelay $0x3  }
0x33: {  	p0 =	seq.s32 s10, $0x1;
	s10 =	sld [smem:$0x3FB9];
	_ =	sdelay $0x3  }
0x34: {  	[smem:$0x3FB9] =	sst s10  }
0x35: {  	s10 =	sld [smem:$0x3FB8];
	_ =	sdelay $0x3  }
0x36: {  	p1 =	seq.s32 s10, $0x1;
	s10 =	sld [smem:$0x3FB9];
	_ =	sdelay $0x3  }
0x37: {  	[smem:$0x3FB9] =	sst s10  }
0x38: {  	s10 =	sld [smem:$0x3FBA]  }
0x39: {  	_ = 	snop;
	(pc) =	sbr.ind lr, $3  }
0x3a: {  	_ = 	snop  }
0x3b: {  	_ = 	snop  }
0x3c: {  	p2 =	seq.s32 s10, $0x1;
	s10 =	sld [smem:$0x3FB9]  }
0x3d: {  	_ =	shalt  }
0x3e: {  	_ =	shalt  }
0x3f: {  	_ =	shalt  }
0x40: {  	_ =	shalt  }
0x41: {  	_ =	shalt  }
0x42: {  	_ =	shalt  }
0x43: {  	_ =	shalt  }
0x44: {  	_ =	shalt  }
0x45: {  	_ =	shalt  }
0x46: {  	_ =	shalt  }
0x47: {  	_ =	shalt  }
0x48: {  	_ =	shalt  }
0x49: {  	_ =	shalt  }
0x4a: {  	_ =	shalt  }
0x4b: {  	_ =	shalt  }
0x4c: {  	_ =	shalt  }
0x4d: {  	_ =	shalt  }
0x4e: {  	_ =	shalt  }
0x4f: {  	_ =	shalt  }
0x50: {  	_ =	shalt  }
0x51: {  	_ =	shalt  }
0x52: {  	_ =	shalt  }
0x53: {  	_ =	shalt  }
0x54: {  	_ =	shalt  }
0x55: {  	_ =	shalt  }
0x56: {  	_ =	shalt  }
0x57: {  	_ =	shalt  }
0x58: {  	_ =	shalt  }
0x59: {  	_ =	shalt  }
0x5a: {  	_ =	shalt  }
0x5b: {  	_ =	shalt  }
0x5c: {  	_ =	shalt  }
0x5d: {  	_ =	shalt  }
0x5e: {  	_ =	shalt  }
0x5f: {  	_ =	shalt  }
0x60: {  	_ =	shalt  }
0x61: {  	_ =	shalt  }
0x62: {  	_ =	shalt  }
0x63: {  	_ =	shalt  }
0x64: {  	_ =	shalt  }
0x65: {  	_ =	shalt  }
0x66: {  	_ =	shalt  }
0x67: {  	_ =	shalt  }
0x68: {  	_ =	shalt  }
0x69: {  	_ =	shalt  }
0x6a: {  	_ =	shalt  }
0x6b: {  	_ =	shalt  }
0x6c: {  	_ =	shalt  }
0x6d: {  	_ =	shalt  }
0x6e: {  	_ =	shalt  }
0x6f: {  	_ =	shalt  }
0x70: {  	_ =	shalt  }
0x71: {  	_ =	shalt  }
0x72: {  	_ =	shalt  }
0x73: {  	_ =	shalt  }
0x74: {  	_ =	shalt  }
0x75: {  	_ =	shalt  }
0x76: {  	_ =	shalt  }
0x77: {  	_ =	shalt  }
0x78: {  	_ =	shalt  }
0x79: {  	_ =	shalt  }
0x7a: {  	_ =	shalt  }
0x7b: {  	_ =	shalt  }
0x7c: {  	_ =	shalt  }
0x7d: {  	_ =	shalt  }
0x7e: {  	_ =	shalt  }
0x7f: {  	_ =	shalt  }
0x80: {  	_ =	shalt  }
0x81: {  	_ =	shalt  }
0x82: {  	_ =	shalt  }
0x83: {  	_ =	shalt  }
0x84: {  	_ =	shalt  }
0x85: {  	_ =	shalt  }
0x86: {  	_ =	shalt  }
0x87: {  	_ =	shalt  }
.Lfunc_end0:
.L_simem_size_0:
called_computation.1_lowered:
.L_overlay_start_0:
0x88: {  	s2 =	sld [smem:$0x3FD9]  }
0x89: {  	s3 =	sld [smem:$0x3FFE];
	_ =	sdelay $0x1  }
0x8a: {  	s1 =	srdreg.scid  }
0x8b: {  	s0 =	sand.u32 $0x1, s1  }
0x8c: {  	s17 =	sshll.u32 s0, $0xA;
	s2 =	sadd.s32 s3, s2  }
0x8d: {  	s2 =	sadd.s32 s2, s17  }
0x8e: {  	[smem:$0x3FC5] =	sst s2  }
0x8f: {  	_ = 	snop  }
0x90: {  	s2 =	sld [smem:$0x3FC8]  }
0x91: {  	s18 =	sld [smem:$0x3FC7]  }
0x92: {  	s4 =	sld [smem:$0x3FD0];
	(tm) =	ssettm $0x1  }
0x93: {  	s5 =	sld [smem:$0x3FFB];
	_ =	sdelay $0x3  }
0x94: {  	_ =	strace s5  }
0x95: {  	s5 =	sld [smem:$0x3FFC];
	_ =	sdelay $0x3  }
0x96: {  	_ =	strace s5  }
0x97: {  	s5 =	sld [smem:$0x3FFD];
	_ =	sdelay $0x3  }
0x98: {  	_ =	strace s5  }
0x99: {  	_ =	strace $0x8FFFFFFF  }
0x9a: {  	s19 =	sld [smem:$0x3FDB];
	_ =	sdelay $0x1  }
0x9b: {  	s6 =	simm.s32 $_scs_section_size  }
0x9c: {  	s7 =	simm.s32 $_size__tile_overlayer_lowered;
	s8 =	simm.s32 $_tile_overlayer_lowered  }
0x9d: {  	s22 =	simm.s32 $0x1BFF;
	s21 =	sshll.u32 s8, $0x1;
	s5 =	sadd.s32 s6, s19  }
0x9e: {  	s9 =	simm.s32 $0x0;
	s20 =	sshll.u32 s7, $0x1;
	s7 =	sadd.s32 s21, s5  }
0x9f: {  	[timem:s9], [sflag:s22] =	dma.local [hbm:s7], s20  }
0xa0: {  	_ =	swait.ge [sflag:s22], s20  }
0xa1: {  	s6 =	ssub.s32 $0x0, s20;
	[sflag:s22] =	ssyncset.done $0x0  }
0xa2: {  	[sflag:s22] =	ssyncadd.s32 s6;
	_ =	sdelay $0x1  }
0xa3: {  	s23 =	simm.s32 $0x1B8B  }
0xa4: {  	_ =	swait.ge [sflag:s23], $0x1  }
0xa5: {  	[sflag:s23] =	ssyncset.done $0x0  }
0xa6: {  	s25 =	simm.s32 $0x1B8E;
	s24 =	sld [smem:$0x3FFE];
	[sflag:s23] =	ssyncadd.s32 $0xFFFFFFFF  }
0xa7: {  	s26 =	simm.s32 $execute0_lowered;
	[smem:$0x3FD2] =	sst s25  }
0xa8: {  	s7 =	sshll.u32 s26, $0x1;
	_ =	strace $0x80000049;
	[dreg:$0x1] =	wrdreg $0xFFFFFFFF  }
0xa9: {  	s28 =	simm.s32 $_size_execute0_lowered;
	s5 =	sadd.s32 s5, s7;
	[dreg:$0x0] =	wrdreg $0x0  }
0xaa: {  	s7 =	sshll.u32 s28, $0x1;
	[dreg:$0x2] =	wrdreg s5  }
0xab: {  	[dreg:$0x3] =	wrdreg s7  }
0xac: {  	[dreg:$0x4] =	wrdreg $0xC0  }
0xad: {  	_ =	task [dreg:s9], $0x5FFFF  }
0xae: {  	[dreg:$0x1] =	wrdreg $0xFFFFFFFF  }
0xaf: {  	[dreg:$0x0] =	wrdreg $0x60  }
0xb0: {  	[dreg:$0x2] =	wrdreg s2  }
0xb1: {  	[dreg:$0x3] =	wrdreg s24  }
0xb2: {  	[dreg:$0x4] =	wrdreg s18  }
0xb3: {  	[dreg:$0x5] =	wrdreg s4  }
0xb4: {  	[dreg:$0x6] =	wrdreg $0x9  }
0xb5: {  	_ =	task.clear_ibuf [dreg:s9], $0x7FFFF;
	_ =	strace $0x90000049  }
0xb6: {  	s29 =	simm.s32 $0x9;
	_ =	strace $0x8000004B  }
0xb7: {  	_ =	swait.ge [sflag:s29], $0x1  }
0xb8: {  	[sflag:s29] =	ssyncadd.s32 $0xFFFFFFFF  }
0xb9: {  	_ =	strace $0x9000004B  }
0xba: {  	_ =	sfence  }
0xbb: {  	s30 =	sld [smem:$0x0];
	_ =	sdelay $0x2  }
0xbc: {  	s31 =	sshll.u32 s1, $0xD;
	s1 =	sshrl.u32 s1, $0x2  }
0xbd: {  	s3 =	sand.u32 $0x4000, s31;
	s1 =	sadd.s32 s1, s30  }
0xbe: {  	s0 =	sor.u32 s3, s0;
	s1 =	sshll.u32 s1, $0x11  }
0xbf: {  	s0 =	sor.u32 s1, s0  }
0xc0: {  	s0 =	sadd.s32 $0x8F2B, s0  }
0xc1: {  	[sflag:s0] =	ssyncadd.remote.s32 $0x1  }
0xc2: {  	_ =	sfence.sel $0xFFFF  }
0xc3: {  	[dreg:$0x0] =	wrdreg $0xFFFFFFFF;
	(pc) =	sbr.abs _section_cstart, $3  }
0xc4: {  	[dreg:$0x1] =	wrdreg $0xFFFFFFFF  }
0xc5: {  	_ =	task.clear_ibuf [dreg:s9], $0x2FFFF;
	_ =	strace $0x9FFFFFFF  }
0xc6: {  	(tm) =	ssettm $0x7FFFFFFF  }
0xc7: {  	_ =	shalt  }
tec
execute0_lowered:
.L_overlay_start_1:
0x0: {  	(tag) =	ssettag $0x1  }
0x1: {  	s1 =	rddreg [dreg:$0x0]  }
0x2: {  	s0 =	rddreg [dreg:$0x1]  }
0x3: {  	s2 =	srdreg.scid;
	s3 =	stileid.u32  }
0x4: {  	s4 =	rddreg [dreg:$0x3];
	s5 =	simm.s32 $0x0;
	s9 =	simm.s32 $0xD  }
0x5: {  	s11 =	simm.s32 $0x80;
	s15 =	simm.s32 $0x180;
	s16 =	simm.s32 $0xDC80  }
0x6: {  	s17 =	simm.s32 $0x200;
	s2 =	sand.u32 $0x1, s2;
	s3 =	sshll.u32 s3, $0x1  }
.Ltmp0:
0x7: {  	s18 =	simm.s32 $0x11C80;
	s3 =	sor.u32 s2, s3;
	(pc) =	sbr.rel .LBB2_1-.Ltmp0, $4  }
0x8: {  	s19 =	simm.s32 $0x8;
	s2 =	ssub.s32 $0x2, s2;
	s6 =	smul.u32 $0x380, s3  }
0x9: {  	s20 =	simm.s32 $0x0;
	[smem:$0x7FF] =	sst s5;
	s7 =	sshrl.u32 s2, $0x1  }
0xa: {  	_ =	strace $0x8000004A;
	s2 =	ssub.s32 s2, s7;
	s0 =	sadd.s32 s6, s0  }
0xb: {  	s7 =	smul.u32 $0xC8000, s3;
	s8 =	smax.u32 s2, $0x1;
	s6 =	sadd.s32 $0xA00, s0  }
.LBB2_7:
0xc: {  	s20 =	sadd.s32 $0x1, s20  }
0xd: {  	p0 =	sne.s32 s20, s8  }
.Ltmp1:
0xe: {  	_ = 	snop;
	(pc) =	sbr.rel @!p0 .LBB2_8-.Ltmp1, $4  }
0xf: {  	_ = 	snop  }
0x10: {  	_ =	swait.ge [sflag:s19], $0x4000  }
0x11: {  	[sflag:s19] =	ssyncset.done $0x0  }
0x12: {  	[sflag:s19] =	ssyncadd.s32 $0xFFFFC000  }
.LBB2_1:
0x13: {  	[tilespmem:s5], [sflag:$0xD] =	stream.linear.gather [hbm4b:s6+s5], $0x1900, $0x38;
	[tilespmem:$0x19C80] =	vst v63  }
0x14: {  	_ =	swait.ge [sflag:s9], $0x1900  }
0x15: {  	[sflag:s9] =	ssyncset.done $0x0  }
0x16: {  	[sflag:s9] =	ssyncadd.s32 $0xFFFFE700  }
0x17: {  	s2 =	simm.s32 $0x1C00;
	s0 =	rddreg [dreg:$0x2]  }
0x18: {  	[tilespmem:s2], [sflag:$0xD] =	stream.linear.gather [hbm4b:s0+s5], $0x80, $0x38;
	[tilespmem:$0x19C80] =	vst v63  }
0x19: {  	_ =	swait.ge [sflag:s9], $0x80  }
0x1a: {  	[sflag:s9] =	ssyncset.done $0x0  }
0x1b: {  	s21 =	simm.s32 $0x1C80;
	[sflag:s9] =	ssyncadd.s32 $0xFFFFFF80  }
0x1c: {  	[tilespmem:s21], [sflag:$0x1] =	stream.indirect.gather [hbm4b:s1+s11], $0x80, s5, s11, $0xb8;
	[tilespmem:$0x19C80] =	vst v63  }
0x1d: {  	s29 =	simm.s32 $0x5C80  }
0x1e: {  	[tilespmem:s29], [sflag:$0x2] =	stream.indirect.gather [hbm4b:s1+s11], $0x80, s11, s11, $0xb8;
	[tilespmem:$0x19C80] =	vst v63  }
0x1f: {  	s30 =	simm.s32 $0x100;
	s31 =	simm.s32 $0x9C80  }
0x20: {  	[tilespmem:s31], [sflag:$0x3] =	stream.indirect.gather [hbm4b:s1+s11], $0x80, s30, s11, $0xb8;
	[tilespmem:$0x19C80] =	vst v63  }
.Ltmp2:
0x21: {  	_ = 	snop;
	(pc) =	sbr.rel .LBB2_2-.Ltmp2, $4  }
0x22: {  	_ = 	snop  }
0x23: {  	[tilespmem:s16], [sflag:$0x4] =	stream.indirect.gather [hbm4b:s1+s11], $0x80, s15, s11, $0xb8;
	[tilespmem:$0x19C80] =	vst v63  }
0x24: {  	s22 =	simm.s32 $0x0  }
0x25: {  	[tilespmem:s18], [sflag:$0x5] =	stream.indirect.gather [hbm4b:s1+s11], $0x80, s17, s11, $0xb8;
	[tilespmem:$0x19C80] =	vst v63  }
.LBB2_6:
0x26: {  	s22 =	sadd.s32 $0x1, s22  }
0x27: {  	p0 =	sne.s32 s22, $0x32  }
.Ltmp3:
0x28: {  	_ = 	snop;
	(pc) =	sbr.rel @!p0 .LBB2_7-.Ltmp3, $2  }
0x29: {  	_ =	sdelay $0x2  }
0x2a: {  	s21 =	sadd.s32 $0x4000, s21  }
.LBB2_2:
0x2b: {  	s0 =	smulhi.u32 $0xAAAAAAAB, s22  }
0x2c: {  	s2 =	smul.u32 $0xAB, s22;
	_ =	sdelay $0x1  }
0x2d: {  	s0 =	sshrl.u32 s0, $0x2;
	s2 =	sshrl.u32 s2, $0xA  }
0x2e: {  	s0 =	smul.u32 $0xFFFA0000, s0;
	s2 =	sand.u32 $0x3F, s2  }
0x2f: {  	s2 =	smul.u32 $0x6, s2  }
0x30: {  	s0 =	sshra.s32 s0, $0x2  }
0x31: {  	s0 =	sadd.s32 s0, s21;
	s2 =	ssub.s32 s22, s2  }
0x32: {  	s23 =	sand.u32 $0xFF, s2;
	v0 =	vmov s0  }
0x33: {  	s3 =	sadd.s32 $0x1, s23  }
0x34: {  	_ =	swait.ge [sflag:s3], $0x4000  }
0x35: {  	[sflag:s3] =	ssyncset.done $0x0  }
0x36: {  	s28 =	simm.s32 $0x0;
	[sflag:s3] =	ssyncadd.s32 $0xFFFFC000  }
0x37: {  	v32 =	vld.idx.msk [tilespmem:v0+s28+$0x0 ss:$0x1], $0xffff  }
0x38: {  	v38 =	vld.idx.msk [tilespmem:v0+s28+$0x10 ss:$0x1], $0xffff;
	_ =	sdelay $0x1  }
0x39: {  	v39 =	vld.idx.msk [tilespmem:v0+s28+$0x20 ss:$0x1], $0xffff;
	_ =	sdelay $0x1  }
0x3a: {  	v30 =	vld.idx.msk [tilespmem:v0+s28+$0x30 ss:$0x1], $0xffff  }
0x3b: {  	v1 =	vmul.f32 v32, v32;
	v2 =	vmul.f32 v38, v38  }
0x3c: {  	v35 =	vld.idx.msk [tilespmem:v0+s28+$0x40 ss:$0x1], $0xffff  }
0x3d: {  	v3 =	vmul.f32 v39, v39;
	v1 =	vadd.f32 v2, v1  }
0x3e: {  	v34 =	vld.idx.msk [tilespmem:v0+s28+$0x50 ss:$0x1], $0xffff  }
0x3f: {  	v2 =	vmul.f32 v30, v30;
	v1 =	vadd.f32 v3, v1  }
0x40: {  	v37 =	vld.idx.msk [tilespmem:v0+s28+$0x60 ss:$0x1], $0xffff  }
0x41: {  	v3 =	vmul.f32 v35, v35;
	v1 =	vadd.f32 v2, v1  }
0x42: {  	v36 =	vld.idx.msk [tilespmem:v0+s28+$0x70 ss:$0x1], $0xffff  }
0x43: {  	s24 =	simm.s32 $0x80;
	v2 =	vmul.f32 v34, v34;
	v1 =	vadd.f32 v3, v1  }
0x44: {  	v16 =	vld.idx.msk [tilespmem:v0+s24+$0x0 ss:$0x1], $0xffff  }
0x45: {  	v14 =	vld.idx.msk [tilespmem:v0+s24+$0x10 ss:$0x1], $0xffff;
	v3 =	vmul.f32 v37, v37;
	v1 =	vadd.f32 v2, v1;
	_ =	sdelay $0x1  }
0x46: {  	v21 =	vld.idx.msk [tilespmem:v0+s24+$0x20 ss:$0x1], $0xffff;
	v2 =	vmul.f32 v36, v36;
	v1 =	vadd.f32 v3, v1;
	_ =	sdelay $0x1  }
0x47: {  	v10 =	vld.idx.msk [tilespmem:v0+s24+$0x30 ss:$0x1], $0xffff;
	v1 =	vadd.f32 v2, v1  }
0x48: {  	v3 =	vmul.f32 v14, v14;
	v2 =	vmul.f32 v16, v16  }
0x49: {  	v13 =	vld.idx.msk [tilespmem:v0+s24+$0x40 ss:$0x1], $0xffff;
	(xrf2) =	vadd.scan.msk.f32 $0xffff, v1  }
0x4a: {  	v28 =	vld.idx.msk [tilespmem:v0+s24+$0x50 ss:$0x1], $0xffff;
	v1 =	vmul.f32 v21, v21;
	v2 =	vadd.f32 v3, v2;
	_ =	sdelay $0x1  }
0x4b: {  	v3 =	vmul.f32 v10, v10;
	v1 =	vadd.f32 v1, v2  }
0x4c: {  	v12 =	vld.idx.msk [tilespmem:v0+s24+$0x60 ss:$0x1], $0xffff  }
0x4d: {  	v2 =	vmul.f32 v13, v13;
	v1 =	vadd.f32 v3, v1  }
0x4e: {  	v9 =	vld.idx.msk [tilespmem:v0+s24+$0x70 ss:$0x1], $0xffff;
	v3 =	vmul.f32 v28, v28  }
0x4f: {  	s26 =	simm.s32 $0x100;
	v1 =	vadd.f32 v2, v1  }
0x50: {  	v11 =	vld.idx.msk [tilespmem:v0+s26+$0x0 ss:$0x1], $0xffff  }
0x51: {  	v15 =	vld.idx.msk [tilespmem:v0+s26+$0x10 ss:$0x1], $0xffff;
	v2 =	vmul.f32 v12, v12;
	v1 =	vadd.f32 v3, v1  }
0x52: {  	v3, _, _ =	vpop (xrf2)  }
0x53: {  	v5 =	vld.idx.msk [tilespmem:v0+s26+$0x20 ss:$0x1], $0xffff;
	v4 =	vmul.f32 v9, v9;
	v1 =	vadd.f32 v2, v1;
	(v2sf) =	vpush v3, $0xF;
	_ =	sdelay $0x1  }
0x54: {  	v6 =	vld.idx.msk [tilespmem:v0+s26+$0x30 ss:$0x1], $0xffff;
	v1 =	vadd.f32 v4, v1  }
0x55: {  	v2 =	vmul.f32 v11, v11;
	v3 =	vmul.f32 v15, v15  }
0x56: {  	v17 =	vld.idx.msk [tilespmem:v0+s26+$0x40 ss:$0x1], $0xffff;
	(xrf2) =	vadd.scan.msk.f32 $0xffff, v1  }
0x57: {  	v2 =	vadd.f32 v3, v2;
	v1 =	vmul.f32 v5, v5  }
0x58: {  	v7 =	vld.idx.msk [tilespmem:v0+s26+$0x50 ss:$0x1], $0xffff  }
0x59: {  	v3 =	vmul.f32 v6, v6;
	v1 =	vadd.f32 v1, v2  }
0x5a: {  	v8 =	vld.idx.msk [tilespmem:v0+s26+$0x60 ss:$0x1], $0xffff  }
0x5b: {  	v2 =	vmul.f32 v17, v17;
	v1 =	vadd.f32 v3, v1  }
0x5c: {  	v4 =	vld.idx.msk [tilespmem:v0+s26+$0x70 ss:$0x1], $0xffff  }
0x5d: {  	s25 =	simm.s32 $0x180;
	v18 =	vmul.f32 v7, v7;
	v2 =	vadd.f32 v2, v1  }
0x5e: {  	v3 =	vld.idx.msk [tilespmem:v0+s25+$0x0 ss:$0x1], $0xffff  }
0x5f: {  	v19 =	vmul.f32 v8, v8;
	v1 =	vld.idx.msk [tilespmem:v0+s25+$0x10 ss:$0x1], $0xffff;
	v18 =	vadd.f32 v18, v2  }
0x60: {  	v20, _, _ =	vpop (xrf2)  }
0x61: {  	v22 =	vmul.f32 v4, v4;
	v2 =	vld.idx.msk [tilespmem:v0+s25+$0x20 ss:$0x1], $0xffff;
	v18 =	vadd.f32 v19, v18;
	(v2sf) =	vpush v20, $0xF;
	s10 =	spop (v2sf)  }
0x62: {  	s0 =	smul.f32 $7.812500000e-03, s10  }
0x63: {  	v19 =	vld.idx.msk [tilespmem:v0+s25+$0x30 ss:$0x1], $0xffff;
	v18 =	vadd.f32 v22, v18  }
0x64: {  	v20 =	vmul.f32 v3, v3;
	v22 =	vmul.f32 v1, v1;
	s0 =	sadd.f32 $9.999999970e-07, s0  }
0x65: {  	v23 =	vld.idx.msk [tilespmem:v0+s25+$0x40 ss:$0x1], $0xffff;
	(xrf2) =	vadd.scan.msk.f32 $0xffff, v18  }
0x66: {  	v24 =	vmul.f32 v2, v2;
	v20 =	vadd.f32 v22, v20;
	s12 =	sshrl.u32 s0, $0x1;
	s0 =	smul.f32 $5.000000000e-01, s0  }
0x67: {  	v18 =	vld.idx.msk [tilespmem:v0+s25+$0x50 ss:$0x1], $0xffff;
	s2 =	ssub.s32 $0x5F3759DF, s12  }
0x68: {  	v22 =	vmul.f32 v19, v19;
	v24 =	vadd.f32 v24, v20;
	s3 =	smul.f32 s2, s0  }
0x69: {  	v20 =	vld.idx.msk [tilespmem:v0+s25+$0x60 ss:$0x1], $0xffff  }
0x6a: {  	v25 =	vmul.f32 v23, v23;
	v22 =	vadd.f32 v22, v24;
	s3 =	smul.f32 s2, s3  }
0x6b: {  	v27 =	vld.idx.msk [tilespmem:v0+s25+$0x70 ss:$0x1], $0xffff  }
0x6c: {  	s29 =	simm.s32 $0x200;
	v26 =	vmul.f32 v18, v18;
	v25 =	vadd.f32 v25, v22;
	s3 =	ssub.f32 $1.500000000e+00, s3  }
0x6d: {  	v24 =	vld.idx.msk [tilespmem:v0+s29+$0x0 ss:$0x1], $0xffff  }
0x6e: {  	v22 =	vld.idx.msk [tilespmem:v0+s29+$0x10 ss:$0x1], $0xffff;
	v29 =	vmul.f32 v20, v20;
	v25 =	vadd.f32 v26, v25;
	s2 =	smul.f32 s2, s3  }
0x6f: {  	v31, _, _ =	vpop (xrf2)  }
0x70: {  	v33 =	vmul.f32 v27, v27;
	v26 =	vld.idx.msk [tilespmem:v0+s29+$0x20 ss:$0x1], $0xffff;
	v29 =	vadd.f32 v29, v25;
	(v2sf) =	vpush v31, $0xF;
	s13 =	spop (v2sf);
	s0 =	smul.f32 s2, s0  }
0x71: {  	s3 =	smul.f32 $7.812500000e-03, s13  }
0x72: {  	v25 =	vld.idx.msk [tilespmem:v0+s29+$0x30 ss:$0x1], $0xffff;
	v31 =	vadd.f32 v33, v29;
	s0 =	smul.f32 s0, s2  }
0x73: {  	v57 =	vmul.f32 v24, v24;
	v40 =	vmul.f32 v22, v22;
	s3 =	sadd.f32 $9.999999970e-07, s3  }
0x74: {  	v29 =	vld.idx.msk [tilespmem:v0+s29+$0x40 ss:$0x1], $0xffff;
	(xrf2) =	vadd.scan.msk.f32 $0xffff, v31;
	s0 =	ssub.f32 $1.500000000e+00, s0  }
0x75: {  	v41 =	vmul.f32 v26, v26;
	v33 =	vadd.f32 v40, v57;
	v31 =	vld.idx.msk [tilespmem:v0+s29+$0x50 ss:$0x1], $0xffff;
	s10 =	sshrl.u32 s3, $0x1;
	s3 =	smul.f32 $5.000000000e-01, s3  }
0x76: {  	s10 =	ssub.s32 $0x5F3759DF, s10;
	s12 =	smul.f32 s0, s2  }
0x77: {  	v58 =	vmul.f32 v25, v25;
	v41 =	vadd.f32 v41, v33;
	v33 =	vld.idx.msk [tilespmem:v0+s29+$0x60 ss:$0x1], $0xffff;
	s14 =	smul.f32 s10, s3  }
0x78: {  	v42 =	vmul.f32 s12, v32  }
0x79: {  	v43 =	vmul.f32 v29, v29;
	v40 =	vadd.f32 v58, v41;
	s0 =	smul.f32 s10, s14;
	v38 =	vmul.f32 s12, v38  }
0x7a: {  	s31 =	simm.s32 $0x280;
	v59 =	vmul.f32 v31, v31;
	v32 =	vld.idx.msk [tilespmem:v0+s29+$0x70 ss:$0x1], $0xffff;
	v39 =	vmul.f32 s12, v39;
	[tilespmem:v0+s28+$0x0 ss:$0x1] =	vst.idx.msk $0xffff, v42  }
0x7b: {  	v40 =	vadd.f32 v43, v40;
	v60 =	vmul.f32 s12, v30;
	v30 =	vld.idx.msk [tilespmem:v0+s31+$0x0 ss:$0x1], $0xffff;
	s0 =	ssub.f32 $1.500000000e+00, s0;
	[tilespmem:v0+s28+$0x10 ss:$0x1] =	vst.idx.msk $0xffff, v38  }
0x7c: {  	v62 =	vmul.f32 v33, v33;
	v61 =	vmul.f32 s12, v35;
	v35 =	vld.idx.msk [tilespmem:v0+s31+$0x10 ss:$0x1], $0xffff;
	[tilespmem:v0+s28+$0x20 ss:$0x1] =	vst.idx.msk $0xffff, v39  }
0x7d: {  	s30 =	sshll.u32 s23, $0xE;
	v44 =	vmul.f32 s12, v34;
	v40 =	vadd.f32 v59, v40;
	v34 =	vld.idx.msk [tilespmem:v0+s31+$0x20 ss:$0x1], $0xffff;
	s2 =	smul.f32 s10, s0;
	[tilespmem:v0+s28+$0x30 ss:$0x1] =	vst.idx.msk $0xffff, v60  }
0x7e: {  	s30 =	sor.u32 $0x1C80, s30;
	v41 =	vmul.f32 s12, v36;
	v36 =	vld.idx.msk [tilespmem:v0+s31+$0x30 ss:$0x1], $0xffff;
	v42 =	vmul.f32 s12, v37;
	v63, _, _ =	vpop (xrf2);
	[tilespmem:v0+s28+$0x40 ss:$0x1] =	vst.idx.msk $0xffff, v61  }
0x7f: {  	v40 =	vadd.f32 v62, v40;
	s0 =	simm.s32 $0xC00;
	(v2sf) =	vpush v63, $0xF;
	v39 =	vmul.f32 v32, v32;
	s10 =	spop (v2sf);
	s3 =	smul.f32 s2, s3;
	[tilespmem:v0+s28+$0x50 ss:$0x1] =	vst.idx.msk $0xffff, v44  }
.LBB2_3:
0x80: {  	p0 =	sne.s32 s0, $0xFE00;
	v37 =	vmovc v7;
	v7 =	vmovc v18;
	v18 =	vmov v31;
	v38 =	vmov v12;
	v12 =	vmov v8  }
0x81: {  	s10 =	smul.f32 $7.812500000e-03, s10;
	[tilespmem:v0+s28+$0x60 ss:$0x1] =	vst.idx.msk $0xffff, v42;
	v8 =	vmovc v20;
	v20 =	vmovc v33;
	v43 =	vmov v9;
	v9 =	vmov v4;
	v4 =	vmov v27;
	s12 =	smov.u32 s0;
	s0 =	sadd.s32 $0x200, s0  }
0x82: {  	v33 =	vmul.f32 v30, v30;
	v44 =	vld.idx.msk [tilespmem:v0+s31+$0x40 ss:$0x1], $0xffff;
	v39 =	vadd.f32 v39, v40;
	s3 =	smul.f32 s3, s2;
	[tilespmem:v0+s28+$0x70 ss:$0x1] =	vst.idx.msk $0xffff, v41;
	s28 =	smov.u32 s24;
	s24 =	smov.u32 s26  }
0x83: {  	v27 =	vmovc v32;
	v40 =	vmul.f32 v35, v35;
	v41 =	vmovc v22;
	v22 =	vmov v35;
	v35 =	vmov v21;
	s26 =	smov.u32 s25;
	s25 =	smov.u32 s29;
	s10 =	sadd.f32 $9.999999970e-07, s10  }
0x84: {  	v21 =	vmovc v5;
	v5 =	vmov v2;
	v2 =	vmov v26;
	s29 =	smov.u32 s31;
	v32 =	vmul.f32 v34, v34;
	v31 =	vld.idx.msk [tilespmem:v0+s31+$0x50 ss:$0x1], $0xffff;
	(xrf2) =	vadd.scan.msk.f32 $0xffff, v39;
	s13 =	ssub.f32 $1.500000000e+00, s3  }
0x85: {  	v26 =	vmovc v34;
	v34 =	vmovc v10;
	v10 =	vmov v6;
	v6 =	vmov v19;
	v39 =	vadd.f32 v40, v33;
	s31 =	sshrl.u32 s10, $0x1;
	s3 =	smul.f32 $5.000000000e-01, s10  }
0x86: {  	v19 =	vmov v25;
	v40 =	vmul.f32 v36, v36;
	v25 =	vmov v36;
	v33 =	vld.idx.msk [tilespmem:v0+s29+$0x60 ss:$0x1], $0xffff;
	s10 =	ssub.s32 $0x5F3759DF, s31;
	s13 =	smul.f32 s13, s2  }
0x87: {  	v36 =	vadd.f32 v32, v39;
	s2 =	smul.f32 s10, s3  }
0x88: {  	v39 =	vmul.f32 v44, v44;
	v32 =	vld.idx.msk [tilespmem:v0+s29+$0x70 ss:$0x1], $0xffff;
	v42 =	vmul.f32 s13, v16;
	v16 =	vmovc v11;
	v11 =	vmovc v3;
	v3 =	vmov v24  }
0x89: {  	v36 =	vadd.f32 v40, v36;
	v40 =	vmul.f32 s13, v14;
	v45 =	vmul.f32 s13, v35;
	v24 =	vmovc v30;
	v14 =	vmovc v15;
	s2 =	smul.f32 s10, s2  }
0x8a: {  	s31 =	sshra.s32 s12, $0x2;
	v15 =	vmovc v1;
	v1 =	vmov v41;
	v46 =	vmul.f32 v31, v31;
	[tilespmem:v0+s28+$0x0 ss:$0x1] =	vst.idx.msk $0xffff, v42;
	v42 =	vmul.f32 s13, v34  }
.Ltmp4:
0x8b: {  	v36 =	vadd.f32 v39, v36;
	v30 =	vld.idx.msk [tilespmem:v0+s31+$0x0 ss:$0x1], $0xffff;
	s2 =	ssub.f32 $1.500000000e+00, s2;
	[tilespmem:v0+s28+$0x10 ss:$0x1] =	vst.idx.msk $0xffff, v40;
	v40 =	vmul.f32 s13, v13;
	v13 =	vmov v17;
	(pc) =	sbr.rel @p0 .LBB2_3-.Ltmp4, $4  }
0x8c: {  	v48 =	vmul.f32 s13, v28;
	v47 =	vmul.f32 v33, v33;
	v17 =	vmov v23;
	v35 =	vld.idx.msk [tilespmem:v0+s31+$0x10 ss:$0x1], $0xffff;
	[tilespmem:v0+s28+$0x20 ss:$0x1] =	vst.idx.msk $0xffff, v45  }
0x8d: {  	v23 =	vmov v29;
	v45 =	vadd.f32 v46, v36;
	v34 =	vld.idx.msk [tilespmem:v0+s31+$0x20 ss:$0x1], $0xffff;
	s2 =	smul.f32 s10, s2;
	[tilespmem:v0+s28+$0x30 ss:$0x1] =	vst.idx.msk $0xffff, v42;
	v42 =	vmul.f32 s13, v38  }
0x8e: {  	v41 =	vmul.f32 s13, v43;
	v29 =	vmov v44;
	v39 =	vmul.f32 v32, v32;
	v38, _, _ =	vpop (xrf2);
	[tilespmem:v0+s28+$0x40 ss:$0x1] =	vst.idx.msk $0xffff, v40  }
0x8f: {  	v28 =	vmov v37;
	v40 =	vadd.f32 v47, v45;
	v36 =	vld.idx.msk [tilespmem:v0+s31+$0x30 ss:$0x1], $0xffff;
	(v2sf) =	vpush v38, $0xF;
	s10 =	spop (v2sf);
	s3 =	smul.f32 s2, s3;
	[tilespmem:v0+s28+$0x50 ss:$0x1] =	vst.idx.msk $0xffff, v48  }
0x90: {  	_ =	sdelay $0x2  }
0x91: {  	v38 =	vmul.f32 v30, v30;
	v43 =	vmul.f32 v35, v35  }
0x92: {  	v37 =	vld.idx.msk [tilespmem:v0+s31+$0x40 ss:$0x1], $0xffff  }
0x93: {  	v44 =	vmul.f32 v34, v34;
	v43 =	vadd.f32 v43, v38  }
0x94: {  	v38 =	vld.idx.msk [tilespmem:v0+s31+$0x50 ss:$0x1], $0xffff  }
0x95: {  	v56 =	vmul.f32 v36, v36;
	v43 =	vadd.f32 v44, v43  }
0x96: {  	v40 =	vadd.f32 v39, v40;
	v39 =	vld.idx.msk [tilespmem:v0+s31+$0x60 ss:$0x1], $0xffff  }
0x97: {  	v57 =	vmul.f32 v37, v37;
	v43 =	vadd.f32 v56, v43  }
0x98: {  	(xrf2) =	vadd.scan.msk.f32 $0xffff, v40;
	v40 =	vld.idx.msk [tilespmem:v0+s31+$0x70 ss:$0x1], $0xffff  }
0x99: {  	v58 =	vmul.f32 v38, v38;
	v43 =	vadd.f32 v57, v43;
	_ =	sdelay $0x1  }
0x9a: {  	v59 =	vmul.f32 v39, v39;
	v43 =	vadd.f32 v58, v43;
	_ =	sdelay $0x1  }
0x9b: {  	v60 =	vmul.f32 v40, v40;
	v43 =	vadd.f32 v59, v43;
	_ =	sdelay $0x1  }
0x9c: {  	v43 =	vadd.f32 v60, v43;
	_ =	sdelay $0x1  }
0x9d: {  	s0 =	smul.f32 $7.812500000e-03, s10;
	(xrf2) =	vadd.scan.msk.f32 $0xffff, v43  }
0x9e: {  	v61, _, _ =	vpop (xrf2)  }
0x9f: {  	s0 =	sadd.f32 $9.999999970e-07, s0;
	(v2sf) =	vpush v61, $0xF;
	_ =	sdelay $0x1  }
0xa0: {  	s13 =	sshrl.u32 s0, $0x1;
	s0 =	smul.f32 $5.000000000e-01, s0  }
0xa1: {  	s10 =	ssub.s32 $0x5F3759DF, s13  }
0xa2: {  	s12 =	smul.f32 s10, s0  }
0xa3: {  	s3 =	smul.f32 s3, s2  }
0xa4: {  	s12 =	smul.f32 s10, s12;
	s13 =	spop (v2sf)  }
0xa5: {  	s3 =	ssub.f32 $1.500000000e+00, s3;
	s13 =	smul.f32 $7.812500000e-03, s13  }
0xa6: {  	s12 =	ssub.f32 $1.500000000e+00, s12;
	v62, _, _ =	vpop (xrf2)  }
0xa7: {  	s2 =	smul.f32 s3, s2;
	s14 =	sadd.f32 $9.999999970e-07, s13;
	(v2sf) =	vpush v62, $0xF  }
0xa8: {  	s10 =	smul.f32 s10, s12  }
0xa9: {  	s13 =	sshrl.u32 s14, $0x1;
	s3 =	smul.f32 $5.000000000e-01, s14  }
0xaa: {  	s0 =	smul.f32 s10, s0;
	s12 =	ssub.s32 $0x5F3759DF, s13  }
0xab: {  	s14 =	smul.f32 s12, s3  }
0xac: {  	s0 =	smul.f32 s0, s10  }
0xad: {  	[tilespmem:v0+s28+$0x60 ss:$0x1] =	vst.idx.msk $0xffff, v42;
	v16 =	vmul.f32 s2, v16;
	s13 =	smul.f32 s12, s14;
	s14 =	spop (v2sf)  }
0xae: {  	[tilespmem:v0+s28+$0x70 ss:$0x1] =	vst.idx.msk $0xffff, v41;
	v14 =	vmul.f32 s2, v14;
	s0 =	ssub.f32 $1.500000000e+00, s0;
	s14 =	smul.f32 $7.812500000e-03, s14  }
0xaf: {  	v21 =	vmul.f32 s2, v21;
	[tilespmem:v0+s24+$0x0 ss:$0x1] =	vst.idx.msk $0xffff, v16;
	s13 =	ssub.f32 $1.500000000e+00, s13  }
0xb0: {  	v10 =	vmul.f32 s2, v10;
	[tilespmem:v0+s24+$0x10 ss:$0x1] =	vst.idx.msk $0xffff, v14;
	s0 =	smul.f32 s0, s10;
	s14 =	sadd.f32 $9.999999970e-07, s14  }
0xb1: {  	v13 =	vmul.f32 s2, v13;
	[tilespmem:v0+s24+$0x20 ss:$0x1] =	vst.idx.msk $0xffff, v21;
	s12 =	smul.f32 s12, s13  }
0xb2: {  	v63 =	vmul.f32 s2, v28;
	[tilespmem:v0+s24+$0x30 ss:$0x1] =	vst.idx.msk $0xffff, v10;
	s28 =	sshrl.u32 s14, $0x1;
	s10 =	smul.f32 $5.000000000e-01, s14  }
0xb3: {  	v12 =	vmul.f32 s2, v12;
	[tilespmem:v0+s24+$0x40 ss:$0x1] =	vst.idx.msk $0xffff, v13;
	s3 =	smul.f32 s12, s3;
	s13 =	ssub.s32 $0x5F3759DF, s28  }
0xb4: {  	v9 =	vmul.f32 s2, v9;
	[tilespmem:v0+s24+$0x50 ss:$0x1] =	vst.idx.msk $0xffff, v63;
	s14 =	smul.f32 s13, s10  }
0xb5: {  	[tilespmem:v0+s24+$0x60 ss:$0x1] =	vst.idx.msk $0xffff, v12;
	v16 =	vmul.f32 s0, v11;
	s3 =	smul.f32 s3, s12  }
0xb6: {  	[tilespmem:v0+s24+$0x70 ss:$0x1] =	vst.idx.msk $0xffff, v9;
	v21 =	vmul.f32 s0, v15;
	s2 =	smul.f32 s13, s14;
	s28 =	spop (v2sf)  }
0xb7: {  	v5 =	vmul.f32 s0, v5;
	[tilespmem:v0+s26+$0x0 ss:$0x1] =	vst.idx.msk $0xffff, v16;
	s3 =	ssub.f32 $1.500000000e+00, s3;
	s14 =	smul.f32 $7.812500000e-03, s28  }
0xb8: {  	v6 =	vmul.f32 s0, v6;
	[tilespmem:v0+s26+$0x10 ss:$0x1] =	vst.idx.msk $0xffff, v21;
	s2 =	ssub.f32 $1.500000000e+00, s2  }
0xb9: {  	v28 =	vmul.f32 s0, v17;
	[tilespmem:v0+s26+$0x20 ss:$0x1] =	vst.idx.msk $0xffff, v5;
	s3 =	smul.f32 s3, s12;
	s24 =	sadd.f32 $9.999999970e-07, s14  }
0xba: {  	v41 =	vmul.f32 s0, v7;
	[tilespmem:v0+s26+$0x30 ss:$0x1] =	vst.idx.msk $0xffff, v6;
	s2 =	smul.f32 s13, s2  }
0xbb: {  	v42 =	vmul.f32 s0, v8;
	[tilespmem:v0+s26+$0x40 ss:$0x1] =	vst.idx.msk $0xffff, v28;
	s28 =	sshrl.u32 s24, $0x1;
	s12 =	smul.f32 $5.000000000e-01, s24  }
0xbc: {  	v4 =	vmul.f32 s0, v4;
	[tilespmem:v0+s26+$0x50 ss:$0x1] =	vst.idx.msk $0xffff, v41;
	s10 =	smul.f32 s2, s10;
	s14 =	ssub.s32 $0x5F3759DF, s28  }
0xbd: {  	[tilespmem:v0+s26+$0x60 ss:$0x1] =	vst.idx.msk $0xffff, v42;
	v3 =	vmul.f32 s3, v3;
	s13 =	smul.f32 s14, s12  }
0xbe: {  	[tilespmem:v0+s26+$0x70 ss:$0x1] =	vst.idx.msk $0xffff, v4;
	v1 =	vmul.f32 s3, v1;
	s0 =	smul.f32 s10, s2  }
0xbf: {  	v2 =	vmul.f32 s3, v2;
	[tilespmem:v0+s25+$0x0 ss:$0x1] =	vst.idx.msk $0xffff, v3;
	s13 =	smul.f32 s14, s13  }
0xc0: {  	v43 =	vmul.f32 s3, v19;
	[tilespmem:v0+s25+$0x10 ss:$0x1] =	vst.idx.msk $0xffff, v1;
	s0 =	ssub.f32 $1.500000000e+00, s0  }
0xc1: {  	v44 =	vmul.f32 s3, v23;
	[tilespmem:v0+s25+$0x20 ss:$0x1] =	vst.idx.msk $0xffff, v2;
	s13 =	ssub.f32 $1.500000000e+00, s13  }
0xc2: {  	v45 =	vmul.f32 s3, v18;
	[tilespmem:v0+s25+$0x30 ss:$0x1] =	vst.idx.msk $0xffff, v43;
	s0 =	smul.f32 s0, s2  }
0xc3: {  	v46 =	vmul.f32 s3, v20;
	[tilespmem:v0+s25+$0x40 ss:$0x1] =	vst.idx.msk $0xffff, v44;
	s24 =	smul.f32 s14, s13  }
0xc4: {  	v47 =	vmul.f32 s3, v27;
	[tilespmem:v0+s25+$0x50 ss:$0x1] =	vst.idx.msk $0xffff, v45  }
0xc5: {  	[tilespmem:v0+s25+$0x60 ss:$0x1] =	vst.idx.msk $0xffff, v46;
	v48 =	vmul.f32 s0, v24;
	s26 =	smul.f32 s24, s12  }
0xc6: {  	[tilespmem:v0+s25+$0x70 ss:$0x1] =	vst.idx.msk $0xffff, v47;
	v49 =	vmul.f32 s0, v22  }
0xc7: {  	v50 =	vmul.f32 s0, v26;
	[tilespmem:v0+s29+$0x0 ss:$0x1] =	vst.idx.msk $0xffff, v48;
	s3 =	smul.f32 s26, s24  }
0xc8: {  	v51 =	vmul.f32 s0, v25;
	[tilespmem:v0+s29+$0x10 ss:$0x1] =	vst.idx.msk $0xffff, v49  }
0xc9: {  	v52 =	vmul.f32 s0, v29;
	[tilespmem:v0+s29+$0x20 ss:$0x1] =	vst.idx.msk $0xffff, v50;
	s3 =	ssub.f32 $1.500000000e+00, s3  }
0xca: {  	v53 =	vmul.f32 s0, v31;
	[tilespmem:v0+s29+$0x30 ss:$0x1] =	vst.idx.msk $0xffff, v51  }
0xcb: {  	v54 =	vmul.f32 s0, v33;
	[tilespmem:v0+s29+$0x40 ss:$0x1] =	vst.idx.msk $0xffff, v52;
	s2 =	smul.f32 s3, s24  }
0xcc: {  	v55 =	vmul.f32 s0, v32;
	[tilespmem:v0+s29+$0x50 ss:$0x1] =	vst.idx.msk $0xffff, v53  }
0xcd: {  	[tilespmem:v0+s29+$0x60 ss:$0x1] =	vst.idx.msk $0xffff, v54;
	v56 =	vmul.f32 s2, v30  }
0xce: {  	[tilespmem:v0+s29+$0x70 ss:$0x1] =	vst.idx.msk $0xffff, v55;
	v57 =	vmul.f32 s2, v35  }
0xcf: {  	v58 =	vmul.f32 s2, v34;
	[tilespmem:v0+s31+$0x0 ss:$0x1] =	vst.idx.msk $0xffff, v56  }
0xd0: {  	v59 =	vmul.f32 s2, v36;
	[tilespmem:v0+s31+$0x10 ss:$0x1] =	vst.idx.msk $0xffff, v57  }
0xd1: {  	p0 =	seq.s32 s22, $0x0;
	v60 =	vmul.f32 s2, v37;
	[tilespmem:v0+s31+$0x20 ss:$0x1] =	vst.idx.msk $0xffff, v58  }
0xd2: {  	s0 =	sadd.s32 @!p0 $0x5, s22;
	v61 =	vmul.f32 s2, v38;
	[tilespmem:v0+s31+$0x30 ss:$0x1] =	vst.idx.msk $0xffff, v59  }
0xd3: {  	s28 =	sshll.u32 s22, $0xE;
	s10 =	smulhi.u32 @!p0 $0xAAAAAAAB, s0;
	v62 =	vmul.f32 s2, v39;
	[tilespmem:v0+s31+$0x40 ss:$0x1] =	vst.idx.msk $0xffff, v60  }
0xd4: {  	p1 =	sgt.u32 @!p0 s22, $0x2C;
	s29 =	sadd.s32 s7, s28;
	v63 =	vmul.f32 s2, v40;
	[tilespmem:v0+s31+$0x50 ss:$0x1] =	vst.idx.msk $0xffff, v61  }
0xd5: {  	p1 =	por p0, !p1;
	s3 =	sshrl.u32 @!p0 s10, $0x2;
	s2 =	sshrl.u32 s29, $0x3;
	[tilespmem:v0+s31+$0x60 ss:$0x1] =	vst.idx.msk $0xffff, v62  }
0xd6: {  	s3 =	smul.u32 @!p0 $0x6, s3;
	s2 =	sadd.s32 s4, s2;
	[tilespmem:v0+s31+$0x70 ss:$0x1] =	vst.idx.msk $0xffff, v63;
	s31 =	sadd.s32 $0x7, s23  }
0xd7: {  	[hbm4b:s2+s5] =	stream.linear.scatter [tilespmem:s30], [sflag:s31], $0x4000, $0x38;
	[tilespmem:$0x19C80] =	vst v63  }
.Ltmp5:
0xd8: {  	s2 =	ssub.s32 @!p0 s0, s3;
	(pc) =	sbr.rel @!p1 .LBB2_6-.Ltmp5, $4  }
0xd9: {  	s2 =	sadd.s32 @!p0 $0x7, s2  }
0xda: {  	_ =	swait.ge @!p0 [sflag:s2], $0x4000  }
0xdb: {  	[sflag:s2] =	ssyncset.done @!p0 $0x0  }
0xdc: {  	[sflag:s2] =	ssyncadd.s32 @!p0 $0xFFFFC000  }
0xdd: {  	s0 =	simm.s32 @p0 $0x5  }
0xde: {  	s2 =	smul.u32 $0xAB, s0;
	_ =	sdelay $0x1  }
0xdf: {  	s2 =	sshrl.u32 s2, $0xA  }
0xe0: {  	s2 =	sand.u32 $0x3F, s2  }
0xe1: {  	s2 =	smul.u32 $0x6, s2;
	_ =	sdelay $0x1  }
.Ltmp6:
0xe2: {  	s2 =	ssub.s32 s0, s2;
	(pc) =	sbr.rel .LBB2_6-.Ltmp6, $4  }
0xe3: {  	s2 =	sand.u32 $0xFF, s2  }
0xe4: {  	s0 =	sshll.u32 s0, $0x7;
	s3 =	sshll.u32 s2, $0xE  }
0xe5: {  	s0 =	sand.u32 $0x3FFFFF80, s0;
	s2 =	sadd.s32 $0x1, s2;
	s3 =	sor.u32 $0x1C80, s3  }
0xe6: {  	[tilespmem:s3], [sflag:s2] =	stream.indirect.gather [hbm4b:s1+s11], $0x80, s0, s11, $0xb8;
	[tilespmem:$0x19C80] =	vst v63  }
.LBB2_8:
0xe7: {  	_ =	sfence.sel $0x180000  }
0xe8: {  	[bflag:$0x0] =	sbarrier.arrive $0xFFFF  }
0xe9: {  	_ =	strace $0x9000004A  }
0xea: {  	s0 =	stileid.u32;
	[bflag:$0x2] =	sbarrier.arrive $0xFFFF  }
0xeb: {  	p0 =	sne.s32 s0, $0x0;
	s0 =	rddreg [dreg:$0x4]  }
0xec: {  	s0 =	sadd.s32 @!p0 $0x100000, s0  }
0xed: {  	[sflag:s0] =	ssyncadd.tile.s32 @!p0 $0x1;
	_ =	shalt  }
.Lfunc_end2:
_tile_overlayer_lowered:
.L_overlay_start_2:
0xee: {  	(tag) =	ssettag $0x2  }
0xef: {  	s0 =	rddreg [dreg:$0x0];
	s2 =	stileid.u32  }
0xf0: {  	s1 =	rddreg [dreg:$0x1];
	p0 =	sne.s32 s2, $0x0  }
0xf1: {  	s3 =	rddreg [dreg:$0x2];
	[bflag:$0x3] =	sbarrier.arrive $0xFFFF;
	s2 =	simm.s32 @!p0 $0x1C0D  }
0xf2: {  	[timem:s3], [sflag:s2] =	dma.local @!p0 [hbm:s0], s1  }
0xf3: {  	s0 =	simm.s32 @!p0 $0xD  }
0xf4: {  	_ =	swait.ge @!p0 [sflag:s0], s1  }
0xf5: {  	s1 =	ssub.s32 @!p0 $0x0, s1;
	[sflag:s0] =	ssyncset.done @!p0 $0x0  }
0xf6: {  	[sflag:s0] =	ssyncadd.s32 @!p0 s1  }
0xf7: {  	[bflag:$0x3] =	sbarrier.arrive $0xFFFF  }
0xf8: {  	_ =	shalt  }

</sc_bundles>
